<compile_context>
chip_gen: v7x
topology: tpu7x:2x2x1
jax: 0.10.2.dev20260603
libtpu: 0.0.44.dev20260713+nightly
codegen_flags: <defaults>
</compile_context>

<pallas_src>
import functools

import jax
import jax.numpy as jnp
from jax import lax
from jax.experimental import pallas as pl
from jax.experimental.pallas import tpu as pltpu
from jax.experimental.pallas import tpu_sc as plsc

VOCAB_ROWS = 1000000
BATCH = 1024
NUM_KW = 50
EMBED_DIM = 64
TOTAL = BATCH * NUM_KW
PACKED_ROWS = VOCAB_ROWS // 2
PACKED_DIM = 2 * EMBED_DIM

_TBLK = 8192
_TSHIFT = _TBLK.bit_length() - 1
_THALF = _TBLK // 2
_TGRID = (VOCAB_ROWS + _TBLK - 1) // _TBLK
PACKED_PAD_ROWS = _TGRID * _THALF

_info = plsc.get_sparse_core_info()
_NC, _NS = _info.num_cores, _info.num_subcores
_NW = _NC * _NS
_BPW = TOTAL // _NW
_CHUNK = _BPW // 2
_LANES = _info.num_lanes

_mesh = plsc.VectorSubcoreMesh(core_axis_name="c", subcore_axis_name="s")


def _transpose_body(x_ref, o_ref):
    x = x_ref[...]
    eye = (
        lax.broadcasted_iota(jnp.int32, (EMBED_DIM, EMBED_DIM), 0)
        == lax.broadcasted_iota(jnp.int32, (EMBED_DIM, EMBED_DIM), 1)
    ).astype(jnp.float32)
    xt = lax.dot_general(
        x, eye, (((0,), (0,)), ((), ())), preferred_element_type=jnp.float32
    )
    o_ref[:, 0:EMBED_DIM] = xt[0:_THALF, :]
    o_ref[:, EMBED_DIM:PACKED_DIM] = xt[_THALF:_TBLK, :]


_transpose = pl.pallas_call(
    _transpose_body,
    grid=(_TGRID,),
    in_specs=[pl.BlockSpec((EMBED_DIM, _TBLK), lambda i: (0, i))],
    out_specs=pl.BlockSpec((_THALF, PACKED_DIM), lambda i: (i, 0)),
    out_shape=jax.ShapeDtypeStruct((PACKED_PAD_ROWS, PACKED_DIM), jnp.float32),
)


@functools.partial(
    pl.kernel,
    mesh=_mesh,
    out_type=jax.ShapeDtypeStruct((TOTAL, PACKED_DIM), jnp.float32),
    scratch_types=[
        pltpu.VMEM((_BPW,), jnp.int32),
        pltpu.VMEM((_CHUNK, PACKED_DIM), jnp.float32),
        pltpu.SemaphoreType.DMA,
    ],
)
def _gather_pairs(packed_hbm, idx_hbm, out_hbm, idx_v, rows_v, sem):
    wid = lax.axis_index("s") * _NC + lax.axis_index("c")
    base = wid * _BPW
    pltpu.sync_copy(idx_hbm.at[pl.ds(base, _BPW)], idx_v)
    for i in range(_BPW // _LANES):
        sl = pl.ds(i * _LANES, _LANES)
        v = idx_v[sl]
        idx_v[sl] = lax.shift_left(
            lax.shift_right_logical(v, _TSHIFT), _TSHIFT - 1
        ) | (v & (_THALF - 1))
    for c in range(2):
        pltpu.async_copy(
            packed_hbm.at[idx_v.at[pl.ds(c * _CHUNK, _CHUNK)]], rows_v, sem
        ).wait()
        pltpu.sync_copy(rows_v, out_hbm.at[pl.ds(base + c * _CHUNK, _CHUNK)])


def kernel(kwids, kw_dist_adj, mask, word_embed_table):
    packed = _transpose(word_embed_table.T)
    flat_ids = kwids.reshape(TOTAL)
    rows = _gather_pairs(packed, flat_ids)
    upper = ((flat_ids >> (_TSHIFT - 1)) & 1).astype(bool)
    kw_embed = jnp.where(
        upper[:, None], rows[:, EMBED_DIM:PACKED_DIM], rows[:, 0:EMBED_DIM]
    ).reshape(BATCH, NUM_KW, EMBED_DIM)
    return (kw_embed, kw_dist_adj, mask)

# --- scband reference (transcript-rebuilt; emitter-appended) ---
"""Pipeline reference for scband-doc-gcnkwdist-dict-embedding-23252952940740 (READ-ONLY COPY).

The authoritative reference and input builder live on the scoring server;
editing this copy changes nothing except your own understanding.
"""

import jax, jax.numpy as jnp
import numpy as np

VOCAB = 1000000
EMBED_DIM = 64
BATCH = 1024
NUM_KW = 50


def setup_inputs(seed: int = 0) -> dict:
    key = jax.random.key(seed)
    k1, k2, k3 = jax.random.split(key, 3)
    kwids = jax.random.randint(k1, (BATCH, NUM_KW), 0, VOCAB, dtype=jnp.int64 if jax.config.jax_enable_x64 else jnp.int32).astype(jnp.int32)
    kw_dist_adj = jax.random.uniform(k2, (BATCH, NUM_KW, NUM_KW), dtype=jnp.float32)
    mask = jnp.ones((BATCH, NUM_KW), dtype=bool)
    # Learned parameter: word embedding table (nn.Embedding(VOCAB, EMBED_DIM))
    word_embed_table = jax.random.normal(k3, (VOCAB, EMBED_DIM), dtype=jnp.float32) * (1.0 / np.sqrt(EMBED_DIM))
    return {
        "kwids": kwids,
        "kw_dist_adj": kw_dist_adj,
        "mask": mask,
        "word_embed_table": word_embed_table,
    }


def reference(kwids, kw_dist_adj, mask, word_embed_table):
    # Faithful translation of DocGCNKWDistDictEmbedding.forward:
    #   kw_embed = self.word_embed(kwids)  -> embedding gather
    #   return (kw_embed, kw_dist_adj, mask)
    kw_embed = jnp.take(word_embed_table, kwids, axis=0)
    return (kw_embed, kw_dist_adj, mask)

if __name__ == "__main__":
    import jax
    _d = setup_inputs()
    print(jax.jit(kernel)(*tuple(_d.values())))

</pallas_src>

<mosaic_0001>
#map = affine_map<(d0, d1) -> (0, 0)>
#map1 = affine_map<(d0, d1) -> (0)>
module attributes {stable_mosaic.version = 14 : i64} {
  func.func @_gather_pairs(%arg0: i32, %arg1: i32, %arg2: memref<503808x128xf32, #tpu.memory_space<hbm>>, %arg3: memref<51200xi32, #tpu.memory_space<hbm>>, %arg4: memref<51200x128xf32, #tpu.memory_space<hbm>>, %arg5: memref<1600xi32, #tpu.memory_space<vmem>>, %arg6: memref<800x128xf32, #tpu.memory_space<vmem>>, %arg7: memref<!tpu.dma_semaphore, #tpu.memory_space<semaphore_mem>>) attributes {dimension_semantics = [#tpu.dimension_semantics<core_parallel>, #tpu.dimension_semantics<subcore_parallel>], iteration_bounds = array<i64: 2, 16>, scalar_prefetch = 0 : i64, scratch_operands = 3 : i64, tpu.core_type = #tpu.core_type<sc_vector_subcore>, window_params = [{transform_indices = #map}, {transform_indices = #map1}, {transform_indices = #map}]} {
    %mul3A = arith.constant 2 : i32
    %mul3A_0 = arith.muli %arg1, %mul3A : i32
    %add3A = arith.addi %mul3A_0, %arg0 : i32
    %mul3A_1 = arith.constant 1600 : i32
    %mul3A_2 = arith.muli %add3A, %mul3A_1 : i32
    "tpu.region"() ({
      %run_scoped3A = tpu.sem_alloc : memref<!tpu.dma_semaphore, #tpu.memory_space<semaphore_mem>>
      %dma_start3A_1719 = tpu.memref_slice %arg3[%mul3A_2] : memref<51200xi32, #tpu.memory_space<hbm>> -> memref<1600xi32, #tpu.memory_space<hbm>>
      %dma_start3A_1720 = tpu.memref_slice %arg3[%mul3A_2] : memref<51200xi32, #tpu.memory_space<hbm>> -> memref<1600xi32, #tpu.memory_space<hbm>>
      tpu.enqueue_dma source(%dma_start3A_1720 : memref<1600xi32, #tpu.memory_space<hbm>>) target(%arg5 : memref<1600xi32, #tpu.memory_space<vmem>>) target_semaphore(%run_scoped3A : memref<!tpu.dma_semaphore, #tpu.memory_space<semaphore_mem>>)
      %dma_wait3A_1721 = tpu.memref_slice %arg3[%mul3A_2] : memref<51200xi32, #tpu.memory_space<hbm>> -> memref<1600xi32, #tpu.memory_space<hbm>>
      %dma_wait3A_1722 = tpu.memref_slice %arg3[%mul3A_2] : memref<51200xi32, #tpu.memory_space<hbm>> -> memref<1600xi32, #tpu.memory_space<hbm>>
      tpu.wait_dma2 semaphore(%run_scoped3A : memref<!tpu.dma_semaphore, #tpu.memory_space<semaphore_mem>>) src(%dma_wait3A_1722 : memref<1600xi32, #tpu.memory_space<hbm>>) dst(%arg5 : memref<1600xi32, #tpu.memory_space<vmem>>)
      tpu.yield
    }) : () -> ()
    %get3A = arith.constant 0 : index
    %get3A_3 = tpu.vector_load %arg5[%get3A] {strides = array<i32>} : memref<1600xi32, #tpu.memory_space<vmem>>, vector<16xi32>,
    %get3A_4 = vector.shape_cast %get3A_3 : vector<16xi32> to vector<16xi32>
    %shift_right_logical3A = arith.constant 13 : i32
    %shift_right_logical3A_5 = vector.broadcast %shift_right_logical3A : i32 to vector<16xi32>
    %shift_right_logical3A_6 = arith.shrui %get3A_4, %shift_right_logical3A_5 : vector<16xi32>
    %shift_left3A = arith.constant 12 : i32
    %shift_left3A_7 = vector.broadcast %shift_left3A : i32 to vector<16xi32>
    %shift_left3A_8 = arith.shli %shift_right_logical3A_6, %shift_left3A_7 : vector<16xi32>
    %and3A = arith.constant 4095 : i32
    %and3A_9 = vector.broadcast %and3A : i32 to vector<16xi32>
    %and3A_10 = arith.andi %get3A_4, %and3A_9 : vector<16xi32>
    %or3A = arith.ori %shift_left3A_8, %and3A_10 : vector<16xi32>
    %swap3A = arith.constant 0 : index
    %swap3A_11 = tpu.vector_load %arg5[%swap3A] {strides = array<i32>} : memref<1600xi32, #tpu.memory_space<vmem>>, vector<16xi32>,
    %swap3A_12 = vector.shape_cast %swap3A_11 : vector<16xi32> to vector<16xi32>
    %swap3A_13 = vector.shape_cast %or3A : vector<16xi32> to vector<16xi32>
    tpu.vector_store %arg5[%swap3A], %swap3A_13 {strides = array<i32>} : memref<1600xi32, #tpu.memory_space<vmem>>, vector<16xi32>,
    %get3A_14 = arith.constant 16 : index
    %get3A_15 = tpu.vector_load %arg5[%get3A_14] {strides = array<i32>} : memref<1600xi32, #tpu.memory_space<vmem>>, vector<16xi32>,
    %get3A_16 = vector.shape_cast %get3A_15 : vector<16xi32> to vector<16xi32>
    %shift_right_logical3A_17 = arith.constant 13 : i32
    %shift_right_logical3A_18 = vector.broadcast %shift_right_logical3A_17 : i32 to vector<16xi32>
    %shift_right_logical3A_19 = arith.shrui %get3A_16, %shift_right_logical3A_18 : vector<16xi32>
    %shift_left3A_20 = arith.constant 12 : i32
    %shift_left3A_21 = vector.broadcast %shift_left3A_20 : i32 to vector<16xi32>
    %shift_left3A_22 = arith.shli %shift_right_logical3A_19, %shift_left3A_21 : vector<16xi32>
    %and3A_23 = arith.constant 4095 : i32
    %and3A_24 = vector.broadcast %and3A_23 : i32 to vector<16xi32>
    %and3A_25 = arith.andi %get3A_16, %and3A_24 : vector<16xi32>
    %or3A_26 = arith.ori %shift_left3A_22, %and3A_25 : vector<16xi32>
    %swap3A_27 = arith.constant 16 : index
    %swap3A_28 = tpu.vector_load %arg5[%swap3A_27] {strides = array<i32>} : memref<1600xi32, #tpu.memory_space<vmem>>, vector<16xi32>,
    %swap3A_29 = vector.shape_cast %swap3A_28 : vector<16xi32> to vector<16xi32>
    %swap3A_30 = vector.shape_cast %or3A_26 : vector<16xi32> to vector<16xi32>
    tpu.vector_store %arg5[%swap3A_27], %swap3A_30 {strides = array<i32>} : memref<1600xi32, #tpu.memory_space<vmem>>, vector<16xi32>,
    %get3A_31 = arith.constant 32 : index
    %get3A_32 = tpu.vector_load %arg5[%get3A_31] {strides = array<i32>} : memref<1600xi32, #tpu.memory_space<vmem>>, vector<16xi32>,
    %get3A_33 = vector.shape_cast %get3A_32 : vector<16xi32> to vector<16xi32>
    %shift_right_logical3A_34 = arith.constant 13 : i32
    %shift_right_logical3A_35 = vector.broadcast %shift_right_logical3A_34 : i32 to vector<16xi32>
    %shift_right_logical3A_36 = arith.shrui %get3A_33, %shift_right_logical3A_35 : vector<16xi32>
    %shift_left3A_37 = arith.constant 12 : i32
    %shift_left3A_38 = vector.broadcast %shift_left3A_37 : i32 to vector<16xi32>
    %shift_left3A_39 = arith.shli %shift_right_logical3A_36, %shift_left3A_38 : vector<16xi32>
    %and3A_40 = arith.constant 4095 : i32
    %and3A_41 = vector.broadcast %and3A_40 : i32 to vector<16xi32>
    %and3A_42 = arith.andi %get3A_33, %and3A_41 : vector<16xi32>
    %or3A_43 = arith.ori %shift_left3A_39, %and3A_42 : vector<16xi32>
    %swap3A_44 = arith.constant 32 : index
    %swap3A_45 = tpu.vector_load %arg5[%swap3A_44] {strides = array<i32>} : memref<1600xi32, #tpu.memory_space<vmem>>, vector<16xi32>,
    %swap3A_46 = vector.shape_cast %swap3A_45 : vector<16xi32> to vector<16xi32>
    %swap3A_47 = vector.shape_cast %or3A_43 : vector<16xi32> to vector<16xi32>
    tpu.vector_store %arg5[%swap3A_44], %swap3A_47 {strides = array<i32>} : memref<1600xi32, #tpu.memory_space<vmem>>, vector<16xi32>,
    %get3A_48 = arith.constant 48 : index
    %get3A_49 = tpu.vector_load %arg5[%get3A_48] {strides = array<i32>} : memref<1600xi32, #tpu.memory_space<vmem>>, vector<16xi32>,
    %get3A_50 = vector.shape_cast %get3A_49 : vector<16xi32> to vector<16xi32>
    %shift_right_logical3A_51 = arith.constant 13 : i32
    %shift_right_logical3A_52 = vector.broadcast %shift_right_logical3A_51 : i32 to vector<16xi32>
    %shift_right_logical3A_53 = arith.shrui %get3A_50, %shift_right_logical3A_52 : vector<16xi32>
    %shift_left3A_54 = arith.constant 12 : i32
    %shift_left3A_55 = vector.broadcast %shift_left3A_54 : i32 to vector<16xi32>
    %shift_left3A_56 = arith.shli %shift_right_logical3A_53, %shift_left3A_55 : vector<16xi32>
    %and3A_57 = arith.constant 4095 : i32
    %and3A_58 = vector.broadcast %and3A_57 : i32 to vector<16xi32>
    %and3A_59 = arith.andi %get3A_50, %and3A_58 : vector<16xi32>
    %or3A_60 = arith.ori %shift_left3A_56, %and3A_59 : vector<16xi32>
    %swap3A_61 = arith.constant 48 : index
    %swap3A_62 = tpu.vector_load %arg5[%swap3A_61] {strides = array<i32>} : memref<1600xi32, #tpu.memory_space<vmem>>, vector<16xi32>,
    %swap3A_63 = vector.shape_cast %swap3A_62 : vector<16xi32> to vector<16xi32>
    %swap3A_64 = vector.shape_cast %or3A_60 : vector<16xi32> to vector<16xi32>
    tpu.vector_store %arg5[%swap3A_61], %swap3A_64 {strides = array<i32>} : memref<1600xi32, #tpu.memory_space<vmem>>, vector<16xi32>,
    %get3A_65 = arith.constant 64 : index
    %get3A_66 = tpu.vector_load %arg5[%get3A_65] {strides = array<i32>} : memref<1600xi32, #tpu.memory_space<vmem>>, vector<16xi32>,
    %get3A_67 = vector.shape_cast %get3A_66 : vector<16xi32> to vector<16xi32>
    %shift_right_logical3A_68 = arith.constant 13 : i32
    %shift_right_logical3A_69 = vector.broadcast %shift_right_logical3A_68 : i32 to vector<16xi32>
    %shift_right_logical3A_70 = arith.shrui %get3A_67, %shift_right_logical3A_69 : vector<16xi32>
    %shift_left3A_71 = arith.constant 12 : i32
    %shift_left3A_72 = vector.broadcast %shift_left3A_71 : i32 to vector<16xi32>
    %shift_left3A_73 = arith.shli %shift_right_logical3A_70, %shift_left3A_72 : vector<16xi32>
    %and3A_74 = arith.constant 4095 : i32
    %and3A_75 = vector.broadcast %and3A_74 : i32 to vector<16xi32>
    %and3A_76 = arith.andi %get3A_67, %and3A_75 : vector<16xi32>
    %or3A_77 = arith.ori %shift_left3A_73, %and3A_76 : vector<16xi32>
    %swap3A_78 = arith.constant 64 : index
    %swap3A_79 = tpu.vector_load %arg5[%swap3A_78] {strides = array<i32>} : memref<1600xi32, #tpu.memory_space<vmem>>, vector<16xi32>,
    %swap3A_80 = vector.shape_cast %swap3A_79 : vector<16xi32> to vector<16xi32>
    %swap3A_81 = vector.shape_cast %or3A_77 : vector<16xi32> to vector<16xi32>
    tpu.vector_store %arg5[%swap3A_78], %swap3A_81 {strides = array<i32>} : memref<1600xi32, #tpu.memory_space<vmem>>, vector<16xi32>,
    %get3A_82 = arith.constant 80 : index
    %get3A_83 = tpu.vector_load %arg5[%get3A_82] {strides = array<i32>} : memref<1600xi32, #tpu.memory_space<vmem>>, vector<16xi32>,
    %get3A_84 = vector.shape_cast %get3A_83 : vector<16xi32> to vector<16xi32>
    %shift_right_logical3A_85 = arith.constant 13 : i32
    %shift_right_logical3A_86 = vector.broadcast %shift_right_logical3A_85 : i32 to vector<16xi32>
    %shift_right_logical3A_87 = arith.shrui %get3A_84, %shift_right_logical3A_86 : vector<16xi32>
    %shift_left3A_88 = arith.constant 12 : i32
    %shift_left3A_89 = vector.broadcast %shift_left3A_88 : i32 to vector<16xi32>
    %shift_left3A_90 = arith.shli %shift_right_logical3A_87, %shift_left3A_89 : vector<16xi32>
    %and3A_91 = arith.constant 4095 : i32
    %and3A_92 = vector.broadcast %and3A_91 : i32 to vector<16xi32>
    %and3A_93 = arith.andi %get3A_84, %and3A_92 : vector<16xi32>
    %or3A_94 = arith.ori %shift_left3A_90, %and3A_93 : vector<16xi32>
    %swap3A_95 = arith.constant 80 : index
    %swap3A_96 = tpu.vector_load %arg5[%swap3A_95] {strides = array<i32>} : memref<1600xi32, #tpu.memory_space<vmem>>, vector<16xi32>,
    %swap3A_97 = vector.shape_cast %swap3A_96 : vector<16xi32> to vector<16xi32>
    %swap3A_98 = vector.shape_cast %or3A_94 : vector<16xi32> to vector<16xi32>
    tpu.vector_store %arg5[%swap3A_95], %swap3A_98 {strides = array<i32>} : memref<1600xi32, #tpu.memory_space<vmem>>, vector<16xi32>,
    %get3A_99 = arith.constant 96 : index
    %get3A_100 = tpu.vector_load %arg5[%get3A_99] {strides = array<i32>} : memref<1600xi32, #tpu.memory_space<vmem>>, vector<16xi32>,
    %get3A_101 = vector.shape_cast %get3A_100 : vector<16xi32> to vector<16xi32>
    %shift_right_logical3A_102 = arith.constant 13 : i32
    %shift_right_logical3A_103 = vector.broadcast %shift_right_logical3A_102 : i32 to vector<16xi32>
    %shift_right_logical3A_104 = arith.shrui %get3A_101, %shift_right_logical3A_103 : vector<16xi32>
    %shift_left3A_105 = arith.constant 12 : i32
    %shift_left3A_106 = vector.broadcast %shift_left3A_105 : i32 to vector<16xi32>
    %shift_left3A_107 = arith.shli %shift_right_logical3A_104, %shift_left3A_106 : vector<16xi32>
    %and3A_108 = arith.constant 4095 : i32
    %and3A_109 = vector.broadcast %and3A_108 : i32 to vector<16xi32>
    %and3A_110 = arith.andi %get3A_101, %and3A_109 : vector<16xi32>
    %or3A_111 = arith.ori %shift_left3A_107, %and3A_110 : vector<16xi32>
    %swap3A_112 = arith.constant 96 : index
    %swap3A_113 = tpu.vector_load %arg5[%swap3A_112] {strides = array<i32>} : memref<1600xi32, #tpu.memory_space<vmem>>, vector<16xi32>,
    %swap3A_114 = vector.shape_cast %swap3A_113 : vector<16xi32> to vector<16xi32>
    %swap3A_115 = vector.shape_cast %or3A_111 : vector<16xi32> to vector<16xi32>
    tpu.vector_store %arg5[%swap3A_112], %swap3A_115 {strides = array<i32>} : memref<1600xi32, #tpu.memory_space<vmem>>, vector<16xi32>,
    %get3A_116 = arith.constant 112 : index
    %get3A_117 = tpu.vector_load %arg5[%get3A_116] {strides = array<i32>} : memref<1600xi32, #tpu.memory_space<vmem>>, vector<16xi32>,
    %get3A_118 = vector.shape_cast %get3A_117 : vector<16xi32> to vector<16xi32>
    %shift_right_logical3A_119 = arith.constant 13 : i32
    %shift_right_logical3A_120 = vector.broadcast %shift_right_logical3A_119 : i32 to vector<16xi32>
    %shift_right_logical3A_121 = arith.shrui %get3A_118, %shift_right_logical3A_120 : vector<16xi32>
    %shift_left3A_122 = arith.constant 12 : i32
    %shift_left3A_123 = vector.broadcast %shift_left3A_122 : i32 to vector<16xi32>
    %shift_left3A_124 = arith.shli %shift_right_logical3A_121, %shift_left3A_123 : vector<16xi32>
    %and3A_125 = arith.constant 4095 : i32
    %and3A_126 = vector.broadcast %and3A_125 : i32 to vector<16xi32>
    %and3A_127 = arith.andi %get3A_118, %and3A_126 : vector<16xi32>
    %or3A_128 = arith.ori %shift_left3A_124, %and3A_127 : vector<16xi32>
    %swap3A_129 = arith.constant 112 : index
    %swap3A_130 = tpu.vector_load %arg5[%swap3A_129] {strides = array<i32>} : memref<1600xi32, #tpu.memory_space<vmem>>, vector<16xi32>,
    %swap3A_131 = vector.shape_cast %swap3A_130 : vector<16xi32> to vector<16xi32>
    %swap3A_132 = vector.shape_cast %or3A_128 : vector<16xi32> to vector<16xi32>
    tpu.vector_store %arg5[%swap3A_129], %swap3A_132 {strides = array<i32>} : memref<1600xi32, #tpu.memory_space<vmem>>, vector<16xi32>,
    %get3A_133 = arith.constant 128 : index
    %get3A_134 = tpu.vector_load %arg5[%get3A_133] {strides = array<i32>} : memref<1600xi32, #tpu.memory_space<vmem>>, vector<16xi32>,
    %get3A_135 = vector.shape_cast %get3A_134 : vector<16xi32> to vector<16xi32>
    %shift_right_logical3A_136 = arith.constant 13 : i32
    %shift_right_logical3A_137 = vector.broadcast %shift_right_logical3A_136 : i32 to vector<16xi32>
    %shift_right_logical3A_138 = arith.shrui %get3A_135, %shift_right_logical3A_137 : vector<16xi32>
    %shift_left3A_139 = arith.constant 12 : i32
    %shift_left3A_140 = vector.broadcast %shift_left3A_139 : i32 to vector<16xi32>
    %shift_left3A_141 = arith.shli %shift_right_logical3A_138, %shift_left3A_140 : vector<16xi32>
    %and3A_142 = arith.constant 4095 : i32
    %and3A_143 = vector.broadcast %and3A_142 : i32 to vector<16xi32>
    %and3A_144 = arith.andi %get3A_135, %and3A_143 : vector<16xi32>
    %or3A_145 = arith.ori %shift_left3A_141, %and3A_144 : vector<16xi32>
    %swap3A_146 = arith.constant 128 : index
    %swap3A_147 = tpu.vector_load %arg5[%swap3A_146] {strides = array<i32>} : memref<1600xi32, #tpu.memory_space<vmem>>, vector<16xi32>,
    %swap3A_148 = vector.shape_cast %swap3A_147 : vector<16xi32> to vector<16xi32>
    %swap3A_149 = vector.shape_cast %or3A_145 : vector<16xi32> to vector<16xi32>
    tpu.vector_store %arg5[%swap3A_146], %swap3A_149 {strides = array<i32>} : memref<1600xi32, #tpu.memory_space<vmem>>, vector<16xi32>,
    %get3A_150 = arith.constant 144 : index
    %get3A_151 = tpu.vector_load %arg5[%get3A_150] {strides = array<i32>} : memref<1600xi32, #tpu.memory_space<vmem>>, vector<16xi32>,
    %get3A_152 = vector.shape_cast %get3A_151 : vector<16xi32> to vector<16xi32>
    %shift_right_logical3A_153 = arith.constant 13 : i32
    %shift_right_logical3A_154 = vector.broadcast %shift_right_logical3A_153 : i32 to vector<16xi32>
    %shift_right_logical3A_155 = arith.shrui %get3A_152, %shift_right_logical3A_154 : vector<16xi32>
    %shift_left3A_156 = arith.constant 12 : i32
    %shift_left3A_157 = vector.broadcast %shift_left3A_156 : i32 to vector<16xi32>
    %shift_left3A_158 = arith.shli %shift_right_logical3A_155, %shift_left3A_157 : vector<16xi32>
    %and3A_159 = arith.constant 4095 : i32
    %and3A_160 = vector.broadcast %and3A_159 : i32 to vector<16xi32>
    %and3A_161 = arith.andi %get3A_152, %and3A_160 : vector<16xi32>
    %or3A_162 = arith.ori %shift_left3A_158, %and3A_161 : vector<16xi32>
    %swap3A_163 = arith.constant 144 : index
    %swap3A_164 = tpu.vector_load %arg5[%swap3A_163] {strides = array<i32>} : memref<1600xi32, #tpu.memory_space<vmem>>, vector<16xi32>,
    %swap3A_165 = vector.shape_cast %swap3A_164 : vector<16xi32> to vector<16xi32>
    %swap3A_166 = vector.shape_cast %or3A_162 : vector<16xi32> to vector<16xi32>
    tpu.vector_store %arg5[%swap3A_163], %swap3A_166 {strides = array<i32>} : memref<1600xi32, #tpu.memory_space<vmem>>, vector<16xi32>,
    %get3A_167 = arith.constant 160 : index
    %get3A_168 = tpu.vector_load %arg5[%get3A_167] {strides = array<i32>} : memref<1600xi32, #tpu.memory_space<vmem>>, vector<16xi32>,
    %get3A_169 = vector.shape_cast %get3A_168 : vector<16xi32> to vector<16xi32>
    %shift_right_logical3A_170 = arith.constant 13 : i32
    %shift_right_logical3A_171 = vector.broadcast %shift_right_logical3A_170 : i32 to vector<16xi32>
    %shift_right_logical3A_172 = arith.shrui %get3A_169, %shift_right_logical3A_171 : vector<16xi32>
    %shift_left3A_173 = arith.constant 12 : i32
    %shift_left3A_174 = vector.broadcast %shift_left3A_173 : i32 to vector<16xi32>
    %shift_left3A_175 = arith.shli %shift_right_logical3A_172, %shift_left3A_174 : vector<16xi32>
    %and3A_176 = arith.constant 4095 : i32
    %and3A_177 = vector.broadcast %and3A_176 : i32 to vector<16xi32>
    %and3A_178 = arith.andi %get3A_169, %and3A_177 : vector<16xi32>
    %or3A_179 = arith.ori %shift_left3A_175, %and3A_178 : vector<16xi32>
    %swap3A_180 = arith.constant 160 : index
    %swap3A_181 = tpu.vector_load %arg5[%swap3A_180] {strides = array<i32>} : memref<1600xi32, #tpu.memory_space<vmem>>, vector<16xi32>,
    %swap3A_182 = vector.shape_cast %swap3A_181 : vector<16xi32> to vector<16xi32>
    %swap3A_183 = vector.shape_cast %or3A_179 : vector<16xi32> to vector<16xi32>
    tpu.vector_store %arg5[%swap3A_180], %swap3A_183 {strides = array<i32>} : memref<1600xi32, #tpu.memory_space<vmem>>, vector<16xi32>,
    %get3A_184 = arith.constant 176 : index
    %get3A_185 = tpu.vector_load %arg5[%get3A_184] {strides = array<i32>} : memref<1600xi32, #tpu.memory_space<vmem>>, vector<16xi32>,
    %get3A_186 = vector.shape_cast %get3A_185 : vector<16xi32> to vector<16xi32>
    %shift_right_logical3A_187 = arith.constant 13 : i32
    %shift_right_logical3A_188 = vector.broadcast %shift_right_logical3A_187 : i32 to vector<16xi32>
    %shift_right_logical3A_189 = arith.shrui %get3A_186, %shift_right_logical3A_188 : vector<16xi32>
    %shift_left3A_190 = arith.constant 12 : i32
    %shift_left3A_191 = vector.broadcast %shift_left3A_190 : i32 to vector<16xi32>
    %shift_left3A_192 = arith.shli %shift_right_logical3A_189, %shift_left3A_191 : vector<16xi32>
    %and3A_193 = arith.constant 4095 : i32
    %and3A_194 = vector.broadcast %and3A_193 : i32 to vector<16xi32>
    %and3A_195 = arith.andi %get3A_186, %and3A_194 : vector<16xi32>
    %or3A_196 = arith.ori %shift_left3A_192, %and3A_195 : vector<16xi32>
    %swap3A_197 = arith.constant 176 : index
    %swap3A_198 = tpu.vector_load %arg5[%swap3A_197] {strides = array<i32>} : memref<1600xi32, #tpu.memory_space<vmem>>, vector<16xi32>,
    %swap3A_199 = vector.shape_cast %swap3A_198 : vector<16xi32> to vector<16xi32>
    %swap3A_200 = vector.shape_cast %or3A_196 : vector<16xi32> to vector<16xi32>
    tpu.vector_store %arg5[%swap3A_197], %swap3A_200 {strides = array<i32>} : memref<1600xi32, #tpu.memory_space<vmem>>, vector<16xi32>,
    %get3A_201 = arith.constant 192 : index
    %get3A_202 = tpu.vector_load %arg5[%get3A_201] {strides = array<i32>} : memref<1600xi32, #tpu.memory_space<vmem>>, vector<16xi32>,
    %get3A_203 = vector.shape_cast %get3A_202 : vector<16xi32> to vector<16xi32>
    %shift_right_logical3A_204 = arith.constant 13 : i32
    %shift_right_logical3A_205 = vector.broadcast %shift_right_logical3A_204 : i32 to vector<16xi32>
    %shift_right_logical3A_206 = arith.shrui %get3A_203, %shift_right_logical3A_205 : vector<16xi32>
    %shift_left3A_207 = arith.constant 12 : i32
    %shift_left3A_208 = vector.broadcast %shift_left3A_207 : i32 to vector<16xi32>
    %shift_left3A_209 = arith.shli %shift_right_logical3A_206, %shift_left3A_208 : vector<16xi32>
    %and3A_210 = arith.constant 4095 : i32
    %and3A_211 = vector.broadcast %and3A_210 : i32 to vector<16xi32>
    %and3A_212 = arith.andi %get3A_203, %and3A_211 : vector<16xi32>
    %or3A_213 = arith.ori %shift_left3A_209, %and3A_212 : vector<16xi32>
    %swap3A_214 = arith.constant 192 : index
    %swap3A_215 = tpu.vector_load %arg5[%swap3A_214] {strides = array<i32>} : memref<1600xi32, #tpu.memory_space<vmem>>, vector<16xi32>,
    %swap3A_216 = vector.shape_cast %swap3A_215 : vector<16xi32> to vector<16xi32>
    %swap3A_217 = vector.shape_cast %or3A_213 : vector<16xi32> to vector<16xi32>
    tpu.vector_store %arg5[%swap3A_214], %swap3A_217 {strides = array<i32>} : memref<1600xi32, #tpu.memory_space<vmem>>, vector<16xi32>,
    %get3A_218 = arith.constant 208 : index
    %get3A_219 = tpu.vector_load %arg5[%get3A_218] {strides = array<i32>} : memref<1600xi32, #tpu.memory_space<vmem>>, vector<16xi32>,
    %get3A_220 = vector.shape_cast %get3A_219 : vector<16xi32> to vector<16xi32>
    %shift_right_logical3A_221 = arith.constant 13 : i32
    %shift_right_logical3A_222 = vector.broadcast %shift_right_logical3A_221 : i32 to vector<16xi32>
    %shift_right_logical3A_223 = arith.shrui %get3A_220, %shift_right_logical3A_222 : vector<16xi32>
    %shift_left3A_224 = arith.constant 12 : i32
    %shift_left3A_225 = vector.broadcast %shift_left3A_224 : i32 to vector<16xi32>
    %shift_left3A_226 = arith.shli %shift_right_logical3A_223, %shift_left3A_225 : vector<16xi32>
    %and3A_227 = arith.constant 4095 : i32
    %and3A_228 = vector.broadcast %and3A_227 : i32 to vector<16xi32>
    %and3A_229 = arith.andi %get3A_220, %and3A_228 : vector<16xi32>
    %or3A_230 = arith.ori %shift_left3A_226, %and3A_229 : vector<16xi32>
    %swap3A_231 = arith.constant 208 : index
    %swap3A_232 = tpu.vector_load %arg5[%swap3A_231] {strides = array<i32>} : memref<1600xi32, #tpu.memory_space<vmem>>, vector<16xi32>,
    %swap3A_233 = vector.shape_cast %swap3A_232 : vector<16xi32> to vector<16xi32>
    %swap3A_234 = vector.shape_cast %or3A_230 : vector<16xi32> to vector<16xi32>
    tpu.vector_store %arg5[%swap3A_231], %swap3A_234 {strides = array<i32>} : memref<1600xi32, #tpu.memory_space<vmem>>, vector<16xi32>,
    %get3A_235 = arith.constant 224 : index
    %get3A_236 = tpu.vector_load %arg5[%get3A_235] {strides = array<i32>} : memref<1600xi32, #tpu.memory_space<vmem>>, vector<16xi32>,
    %get3A_237 = vector.shape_cast %get3A_236 : vector<16xi32> to vector<16xi32>
    %shift_right_logical3A_238 = arith.constant 13 : i32
    %shift_right_logical3A_239 = vector.broadcast %shift_right_logical3A_238 : i32 to vector<16xi32>
    %shift_right_logical3A_240 = arith.shrui %get3A_237, %shift_right_logical3A_239 : vector<16xi32>
    %shift_left3A_241 = arith.constant 12 : i32
    %shift_left3A_242 = vector.broadcast %shift_left3A_241 : i32 to vector<16xi32>
    %shift_left3A_243 = arith.shli %shift_right_logical3A_240, %shift_left3A_242 : vector<16xi32>
    %and3A_244 = arith.constant 4095 : i32
    %and3A_245 = vector.broadcast %and3A_244 : i32 to vector<16xi32>
    %and3A_246 = arith.andi %get3A_237, %and3A_245 : vector<16xi32>
    %or3A_247 = arith.ori %shift_left3A_243, %and3A_246 : vector<16xi32>
    %swap3A_248 = arith.constant 224 : index
    %swap3A_249 = tpu.vector_load %arg5[%swap3A_248] {strides = array<i32>} : memref<1600xi32, #tpu.memory_space<vmem>>, vector<16xi32>,
    %swap3A_250 = vector.shape_cast %swap3A_249 : vector<16xi32> to vector<16xi32>
    %swap3A_251 = vector.shape_cast %or3A_247 : vector<16xi32> to vector<16xi32>
    tpu.vector_store %arg5[%swap3A_248], %swap3A_251 {strides = array<i32>} : memref<1600xi32, #tpu.memory_space<vmem>>, vector<16xi32>,
    %get3A_252 = arith.constant 240 : index
    %get3A_253 = tpu.vector_load %arg5[%get3A_252] {strides = array<i32>} : memref<1600xi32, #tpu.memory_space<vmem>>, vector<16xi32>,
    %get3A_254 = vector.shape_cast %get3A_253 : vector<16xi32> to vector<16xi32>
    %shift_right_logical3A_255 = arith.constant 13 : i32
    %shift_right_logical3A_256 = vector.broadcast %shift_right_logical3A_255 : i32 to vector<16xi32>
    %shift_right_logical3A_257 = arith.shrui %get3A_254, %shift_right_logical3A_256 : vector<16xi32>
    %shift_left3A_258 = arith.constant 12 : i32
    %shift_left3A_259 = vector.broadcast %shift_left3A_258 : i32 to vector<16xi32>
    %shift_left3A_260 = arith.shli %shift_right_logical3A_257, %shift_left3A_259 : vector<16xi32>
    %and3A_261 = arith.constant 4095 : i32
    %and3A_262 = vector.broadcast %and3A_261 : i32 to vector<16xi32>
    %and3A_263 = arith.andi %get3A_254, %and3A_262 : vector<16xi32>
    %or3A_264 = arith.ori %shift_left3A_260, %and3A_263 : vector<16xi32>
    %swap3A_265 = arith.constant 240 : index
    %swap3A_266 = tpu.vector_load %arg5[%swap3A_265] {strides = array<i32>} : memref<1600xi32, #tpu.memory_space<vmem>>, vector<16xi32>,
    %swap3A_267 = vector.shape_cast %swap3A_266 : vector<16xi32> to vector<16xi32>
    %swap3A_268 = vector.shape_cast %or3A_264 : vector<16xi32> to vector<16xi32>
    tpu.vector_store %arg5[%swap3A_265], %swap3A_268 {strides = array<i32>} : memref<1600xi32, #tpu.memory_space<vmem>>, vector<16xi32>,
    %get3A_269 = arith.constant 256 : index
    %get3A_270 = tpu.vector_load %arg5[%get3A_269] {strides = array<i32>} : memref<1600xi32, #tpu.memory_space<vmem>>, vector<16xi32>,
    %get3A_271 = vector.shape_cast %get3A_270 : vector<16xi32> to vector<16xi32>
    %shift_right_logical3A_272 = arith.constant 13 : i32
    %shift_right_logical3A_273 = vector.broadcast %shift_right_logical3A_272 : i32 to vector<16xi32>
    %shift_right_logical3A_274 = arith.shrui %get3A_271, %shift_right_logical3A_273 : vector<16xi32>
    %shift_left3A_275 = arith.constant 12 : i32
    %shift_left3A_276 = vector.broadcast %shift_left3A_275 : i32 to vector<16xi32>
    %shift_left3A_277 = arith.shli %shift_right_logical3A_274, %shift_left3A_276 : vector<16xi32>
    %and3A_278 = arith.constant 4095 : i32
    %and3A_279 = vector.broadcast %and3A_278 : i32 to vector<16xi32>
    %and3A_280 = arith.andi %get3A_271, %and3A_279 : vector<16xi32>
    %or3A_281 = arith.ori %shift_left3A_277, %and3A_280 : vector<16xi32>
    %swap3A_282 = arith.constant 256 : index
    %swap3A_283 = tpu.vector_load %arg5[%swap3A_282] {strides = array<i32>} : memref<1600xi32, #tpu.memory_space<vmem>>, vector<16xi32>,
    %swap3A_284 = vector.shape_cast %swap3A_283 : vector<16xi32> to vector<16xi32>
    %swap3A_285 = vector.shape_cast %or3A_281 : vector<16xi32> to vector<16xi32>
    tpu.vector_store %arg5[%swap3A_282], %swap3A_285 {strides = array<i32>} : memref<1600xi32, #tpu.memory_space<vmem>>, vector<16xi32>,
    %get3A_286 = arith.constant 272 : index
    %get3A_287 = tpu.vector_load %arg5[%get3A_286] {strides = array<i32>} : memref<1600xi32, #tpu.memory_space<vmem>>, vector<16xi32>,
    %get3A_288 = vector.shape_cast %get3A_287 : vector<16xi32> to vector<16xi32>
    %shift_right_logical3A_289 = arith.constant 13 : i32
    %shift_right_logical3A_290 = vector.broadcast %shift_right_logical3A_289 : i32 to vector<16xi32>
    %shift_right_logical3A_291 = arith.shrui %get3A_288, %shift_right_logical3A_290 : vector<16xi32>
    %shift_left3A_292 = arith.constant 12 : i32
    %shift_left3A_293 = vector.broadcast %shift_left3A_292 : i32 to vector<16xi32>
    %shift_left3A_294 = arith.shli %shift_right_logical3A_291, %shift_left3A_293 : vector<16xi32>
    %and3A_295 = arith.constant 4095 : i32
    %and3A_296 = vector.broadcast %and3A_295 : i32 to vector<16xi32>
    %and3A_297 = arith.andi %get3A_288, %and3A_296 : vector<16xi32>
    %or3A_298 = arith.ori %shift_left3A_294, %and3A_297 : vector<16xi32>
    %swap3A_299 = arith.constant 272 : index
    %swap3A_300 = tpu.vector_load %arg5[%swap3A_299] {strides = array<i32>} : memref<1600xi32, #tpu.memory_space<vmem>>, vector<16xi32>,
    %swap3A_301 = vector.shape_cast %swap3A_300 : vector<16xi32> to vector<16xi32>
    %swap3A_302 = vector.shape_cast %or3A_298 : vector<16xi32> to vector<16xi32>
    tpu.vector_store %arg5[%swap3A_299], %swap3A_302 {strides = array<i32>} : memref<1600xi32, #tpu.memory_space<vmem>>, vector<16xi32>,
    %get3A_303 = arith.constant 288 : index
    %get3A_304 = tpu.vector_load %arg5[%get3A_303] {strides = array<i32>} : memref<1600xi32, #tpu.memory_space<vmem>>, vector<16xi32>,
    %get3A_305 = vector.shape_cast %get3A_304 : vector<16xi32> to vector<16xi32>
    %shift_right_logical3A_306 = arith.constant 13 : i32
    %shift_right_logical3A_307 = vector.broadcast %shift_right_logical3A_306 : i32 to vector<16xi32>
    %shift_right_logical3A_308 = arith.shrui %get3A_305, %shift_right_logical3A_307 : vector<16xi32>
    %shift_left3A_309 = arith.constant 12 : i32
    %shift_left3A_310 = vector.broadcast %shift_left3A_309 : i32 to vector<16xi32>
    %shift_left3A_311 = arith.shli %shift_right_logical3A_308, %shift_left3A_310 : vector<16xi32>
    %and3A_312 = arith.constant 4095 : i32
    %and3A_313 = vector.broadcast %and3A_312 : i32 to vector<16xi32>
    %and3A_314 = arith.andi %get3A_305, %and3A_313 : vector<16xi32>
    %or3A_315 = arith.ori %shift_left3A_311, %and3A_314 : vector<16xi32>
    %swap3A_316 = arith.constant 288 : index
    %swap3A_317 = tpu.vector_load %arg5[%swap3A_316] {strides = array<i32>} : memref<1600xi32, #tpu.memory_space<vmem>>, vector<16xi32>,
    %swap3A_318 = vector.shape_cast %swap3A_317 : vector<16xi32> to vector<16xi32>
    %swap3A_319 = vector.shape_cast %or3A_315 : vector<16xi32> to vector<16xi32>
    tpu.vector_store %arg5[%swap3A_316], %swap3A_319 {strides = array<i32>} : memref<1600xi32, #tpu.memory_space<vmem>>, vector<16xi32>,
    %get3A_320 = arith.constant 304 : index
    %get3A_321 = tpu.vector_load %arg5[%get3A_320] {strides = array<i32>} : memref<1600xi32, #tpu.memory_space<vmem>>, vector<16xi32>,
    %get3A_322 = vector.shape_cast %get3A_321 : vector<16xi32> to vector<16xi32>
    %shift_right_logical3A_323 = arith.constant 13 : i32
    %shift_right_logical3A_324 = vector.broadcast %shift_right_logical3A_323 : i32 to vector<16xi32>
    %shift_right_logical3A_325 = arith.shrui %get3A_322, %shift_right_logical3A_324 : vector<16xi32>
    %shift_left3A_326 = arith.constant 12 : i32
    %shift_left3A_327 = vector.broadcast %shift_left3A_326 : i32 to vector<16xi32>
    %shift_left3A_328 = arith.shli %shift_right_logical3A_325, %shift_left3A_327 : vector<16xi32>
    %and3A_329 = arith.constant 4095 : i32
    %and3A_330 = vector.broadcast %and3A_329 : i32 to vector<16xi32>
    %and3A_331 = arith.andi %get3A_322, %and3A_330 : vector<16xi32>
    %or3A_332 = arith.ori %shift_left3A_328, %and3A_331 : vector<16xi32>
    %swap3A_333 = arith.constant 304 : index
    %swap3A_334 = tpu.vector_load %arg5[%swap3A_333] {strides = array<i32>} : memref<1600xi32, #tpu.memory_space<vmem>>, vector<16xi32>,
    %swap3A_335 = vector.shape_cast %swap3A_334 : vector<16xi32> to vector<16xi32>
    %swap3A_336 = vector.shape_cast %or3A_332 : vector<16xi32> to vector<16xi32>
    tpu.vector_store %arg5[%swap3A_333], %swap3A_336 {strides = array<i32>} : memref<1600xi32, #tpu.memory_space<vmem>>, vector<16xi32>,
    %get3A_337 = arith.constant 320 : index
    %get3A_338 = tpu.vector_load %arg5[%get3A_337] {strides = array<i32>} : memref<1600xi32, #tpu.memory_space<vmem>>, vector<16xi32>,
    %get3A_339 = vector.shape_cast %get3A_338 : vector<16xi32> to vector<16xi32>
    %shift_right_logical3A_340 = arith.constant 13 : i32
    %shift_right_logical3A_341 = vector.broadcast %shift_right_logical3A_340 : i32 to vector<16xi32>
    %shift_right_logical3A_342 = arith.shrui %get3A_339, %shift_right_logical3A_341 : vector<16xi32>
    %shift_left3A_343 = arith.constant 12 : i32
    %shift_left3A_344 = vector.broadcast %shift_left3A_343 : i32 to vector<16xi32>
    %shift_left3A_345 = arith.shli %shift_right_logical3A_342, %shift_left3A_344 : vector<16xi32>
    %and3A_346 = arith.constant 4095 : i32
    %and3A_347 = vector.broadcast %and3A_346 : i32 to vector<16xi32>
    %and3A_348 = arith.andi %get3A_339, %and3A_347 : vector<16xi32>
    %or3A_349 = arith.ori %shift_left3A_345, %and3A_348 : vector<16xi32>
    %swap3A_350 = arith.constant 320 : index
    %swap3A_351 = tpu.vector_load %arg5[%swap3A_350] {strides = array<i32>} : memref<1600xi32, #tpu.memory_space<vmem>>, vector<16xi32>,
    %swap3A_352 = vector.shape_cast %swap3A_351 : vector<16xi32> to vector<16xi32>
    %swap3A_353 = vector.shape_cast %or3A_349 : vector<16xi32> to vector<16xi32>
    tpu.vector_store %arg5[%swap3A_350], %swap3A_353 {strides = array<i32>} : memref<1600xi32, #tpu.memory_space<vmem>>, vector<16xi32>,
    %get3A_354 = arith.constant 336 : index
    %get3A_355 = tpu.vector_load %arg5[%get3A_354] {strides = array<i32>} : memref<1600xi32, #tpu.memory_space<vmem>>, vector<16xi32>,
    %get3A_356 = vector.shape_cast %get3A_355 : vector<16xi32> to vector<16xi32>
    %shift_right_logical3A_357 = arith.constant 13 : i32
    %shift_right_logical3A_358 = vector.broadcast %shift_right_logical3A_357 : i32 to vector<16xi32>
    %shift_right_logical3A_359 = arith.shrui %get3A_356, %shift_right_logical3A_358 : vector<16xi32>
    %shift_left3A_360 = arith.constant 12 : i32
    %shift_left3A_361 = vector.broadcast %shift_left3A_360 : i32 to vector<16xi32>
    %shift_left3A_362 = arith.shli %shift_right_logical3A_359, %shift_left3A_361 : vector<16xi32>
    %and3A_363 = arith.constant 4095 : i32
    %and3A_364 = vector.broadcast %and3A_363 : i32 to vector<16xi32>
    %and3A_365 = arith.andi %get3A_356, %and3A_364 : vector<16xi32>
    %or3A_366 = arith.ori %shift_left3A_362, %and3A_365 : vector<16xi32>
    %swap3A_367 = arith.constant 336 : index
    %swap3A_368 = tpu.vector_load %arg5[%swap3A_367] {strides = array<i32>} : memref<1600xi32, #tpu.memory_space<vmem>>, vector<16xi32>,
    %swap3A_369 = vector.shape_cast %swap3A_368 : vector<16xi32> to vector<16xi32>
    %swap3A_370 = vector.shape_cast %or3A_366 : vector<16xi32> to vector<16xi32>
    tpu.vector_store %arg5[%swap3A_367], %swap3A_370 {strides = array<i32>} : memref<1600xi32, #tpu.memory_space<vmem>>, vector<16xi32>,
    %get3A_371 = arith.constant 352 : index
    %get3A_372 = tpu.vector_load %arg5[%get3A_371] {strides = array<i32>} : memref<1600xi32, #tpu.memory_space<vmem>>, vector<16xi32>,
    %get3A_373 = vector.shape_cast %get3A_372 : vector<16xi32> to vector<16xi32>
    %shift_right_logical3A_374 = arith.constant 13 : i32
    %shift_right_logical3A_375 = vector.broadcast %shift_right_logical3A_374 : i32 to vector<16xi32>
    %shift_right_logical3A_376 = arith.shrui %get3A_373, %shift_right_logical3A_375 : vector<16xi32>
    %shift_left3A_377 = arith.constant 12 : i32
    %shift_left3A_378 = vector.broadcast %shift_left3A_377 : i32 to vector<16xi32>
    %shift_left3A_379 = arith.shli %shift_right_logical3A_376, %shift_left3A_378 : vector<16xi32>
    %and3A_380 = arith.constant 4095 : i32
    %and3A_381 = vector.broadcast %and3A_380 : i32 to vector<16xi32>
    %and3A_382 = arith.andi %get3A_373, %and3A_381 : vector<16xi32>
    %or3A_383 = arith.ori %shift_left3A_379, %and3A_382 : vector<16xi32>
    %swap3A_384 = arith.constant 352 : index
    %swap3A_385 = tpu.vector_load %arg5[%swap3A_384] {strides = array<i32>} : memref<1600xi32, #tpu.memory_space<vmem>>, vector<16xi32>,
    %swap3A_386 = vector.shape_cast %swap3A_385 : vector<16xi32> to vector<16xi32>
    %swap3A_387 = vector.shape_cast %or3A_383 : vector<16xi32> to vector<16xi32>
    tpu.vector_store %arg5[%swap3A_384], %swap3A_387 {strides = array<i32>} : memref<1600xi32, #tpu.memory_space<vmem>>, vector<16xi32>,
    %get3A_388 = arith.constant 368 : index
    %get3A_389 = tpu.vector_load %arg5[%get3A_388] {strides = array<i32>} : memref<1600xi32, #tpu.memory_space<vmem>>, vector<16xi32>,
    %get3A_390 = vector.shape_cast %get3A_389 : vector<16xi32> to vector<16xi32>
    %shift_right_logical3A_391 = arith.constant 13 : i32
    %shift_right_logical3A_392 = vector.broadcast %shift_right_logical3A_391 : i32 to vector<16xi32>
    %shift_right_logical3A_393 = arith.shrui %get3A_390, %shift_right_logical3A_392 : vector<16xi32>
    %shift_left3A_394 = arith.constant 12 : i32
    %shift_left3A_395 = vector.broadcast %shift_left3A_394 : i32 to vector<16xi32>
    %shift_left3A_396 = arith.shli %shift_right_logical3A_393, %shift_left3A_395 : vector<16xi32>
    %and3A_397 = arith.constant 4095 : i32
    %and3A_398 = vector.broadcast %and3A_397 : i32 to vector<16xi32>
    %and3A_399 = arith.andi %get3A_390, %and3A_398 : vector<16xi32>
    %or3A_400 = arith.ori %shift_left3A_396, %and3A_399 : vector<16xi32>
    %swap3A_401 = arith.constant 368 : index
    %swap3A_402 = tpu.vector_load %arg5[%swap3A_401] {strides = array<i32>} : memref<1600xi32, #tpu.memory_space<vmem>>, vector<16xi32>,
    %swap3A_403 = vector.shape_cast %swap3A_402 : vector<16xi32> to vector<16xi32>
    %swap3A_404 = vector.shape_cast %or3A_400 : vector<16xi32> to vector<16xi32>
    tpu.vector_store %arg5[%swap3A_401], %swap3A_404 {strides = array<i32>} : memref<1600xi32, #tpu.memory_space<vmem>>, vector<16xi32>,
    %get3A_405 = arith.constant 384 : index
    %get3A_406 = tpu.vector_load %arg5[%get3A_405] {strides = array<i32>} : memref<1600xi32, #tpu.memory_space<vmem>>, vector<16xi32>,
    %get3A_407 = vector.shape_cast %get3A_406 : vector<16xi32> to vector<16xi32>
    %shift_right_logical3A_408 = arith.constant 13 : i32
    %shift_right_logical3A_409 = vector.broadcast %shift_right_logical3A_408 : i32 to vector<16xi32>
    %shift_right_logical3A_410 = arith.shrui %get3A_407, %shift_right_logical3A_409 : vector<16xi32>
    %shift_left3A_411 = arith.constant 12 : i32
    %shift_left3A_412 = vector.broadcast %shift_left3A_411 : i32 to vector<16xi32>
    %shift_left3A_413 = arith.shli %shift_right_logical3A_410, %shift_left3A_412 : vector<16xi32>
    %and3A_414 = arith.constant 4095 : i32
    %and3A_415 = vector.broadcast %and3A_414 : i32 to vector<16xi32>
    %and3A_416 = arith.andi %get3A_407, %and3A_415 : vector<16xi32>
    %or3A_417 = arith.ori %shift_left3A_413, %and3A_416 : vector<16xi32>
    %swap3A_418 = arith.constant 384 : index
    %swap3A_419 = tpu.vector_load %arg5[%swap3A_418] {strides = array<i32>} : memref<1600xi32, #tpu.memory_space<vmem>>, vector<16xi32>,
    %swap3A_420 = vector.shape_cast %swap3A_419 : vector<16xi32> to vector<16xi32>
    %swap3A_421 = vector.shape_cast %or3A_417 : vector<16xi32> to vector<16xi32>
    tpu.vector_store %arg5[%swap3A_418], %swap3A_421 {strides = array<i32>} : memref<1600xi32, #tpu.memory_space<vmem>>, vector<16xi32>,
    %get3A_422 = arith.constant 400 : index
    %get3A_423 = tpu.vector_load %arg5[%get3A_422] {strides = array<i32>} : memref<1600xi32, #tpu.memory_space<vmem>>, vector<16xi32>,
    %get3A_424 = vector.shape_cast %get3A_423 : vector<16xi32> to vector<16xi32>
    %shift_right_logical3A_425 = arith.constant 13 : i32
    %shift_right_logical3A_426 = vector.broadcast %shift_right_logical3A_425 : i32 to vector<16xi32>
    %shift_right_logical3A_427 = arith.shrui %get3A_424, %shift_right_logical3A_426 : vector<16xi32>
    %shift_left3A_428 = arith.constant 12 : i32
    %shift_left3A_429 = vector.broadcast %shift_left3A_428 : i32 to vector<16xi32>
    %shift_left3A_430 = arith.shli %shift_right_logical3A_427, %shift_left3A_429 : vector<16xi32>
    %and3A_431 = arith.constant 4095 : i32
    %and3A_432 = vector.broadcast %and3A_431 : i32 to vector<16xi32>
    %and3A_433 = arith.andi %get3A_424, %and3A_432 : vector<16xi32>
    %or3A_434 = arith.ori %shift_left3A_430, %and3A_433 : vector<16xi32>
    %swap3A_435 = arith.constant 400 : index
    %swap3A_436 = tpu.vector_load %arg5[%swap3A_435] {strides = array<i32>} : memref<1600xi32, #tpu.memory_space<vmem>>, vector<16xi32>,
    %swap3A_437 = vector.shape_cast %swap3A_436 : vector<16xi32> to vector<16xi32>
    %swap3A_438 = vector.shape_cast %or3A_434 : vector<16xi32> to vector<16xi32>
    tpu.vector_store %arg5[%swap3A_435], %swap3A_438 {strides = array<i32>} : memref<1600xi32, #tpu.memory_space<vmem>>, vector<16xi32>,
    %get3A_439 = arith.constant 416 : index
    %get3A_440 = tpu.vector_load %arg5[%get3A_439] {strides = array<i32>} : memref<1600xi32, #tpu.memory_space<vmem>>, vector<16xi32>,
    %get3A_441 = vector.shape_cast %get3A_440 : vector<16xi32> to vector<16xi32>
    %shift_right_logical3A_442 = arith.constant 13 : i32
    %shift_right_logical3A_443 = vector.broadcast %shift_right_logical3A_442 : i32 to vector<16xi32>
    %shift_right_logical3A_444 = arith.shrui %get3A_441, %shift_right_logical3A_443 : vector<16xi32>
    %shift_left3A_445 = arith.constant 12 : i32
    %shift_left3A_446 = vector.broadcast %shift_left3A_445 : i32 to vector<16xi32>
    %shift_left3A_447 = arith.shli %shift_right_logical3A_444, %shift_left3A_446 : vector<16xi32>
    %and3A_448 = arith.constant 4095 : i32
    %and3A_449 = vector.broadcast %and3A_448 : i32 to vector<16xi32>
    %and3A_450 = arith.andi %get3A_441, %and3A_449 : vector<16xi32>
    %or3A_451 = arith.ori %shift_left3A_447, %and3A_450 : vector<16xi32>
    %swap3A_452 = arith.constant 416 : index
    %swap3A_453 = tpu.vector_load %arg5[%swap3A_452] {strides = array<i32>} : memref<1600xi32, #tpu.memory_space<vmem>>, vector<16xi32>,
    %swap3A_454 = vector.shape_cast %swap3A_453 : vector<16xi32> to vector<16xi32>
    %swap3A_455 = vector.shape_cast %or3A_451 : vector<16xi32> to vector<16xi32>
    tpu.vector_store %arg5[%swap3A_452], %swap3A_455 {strides = array<i32>} : memref<1600xi32, #tpu.memory_space<vmem>>, vector<16xi32>,
    %get3A_456 = arith.constant 432 : index
    %get3A_457 = tpu.vector_load %arg5[%get3A_456] {strides = array<i32>} : memref<1600xi32, #tpu.memory_space<vmem>>, vector<16xi32>,
    %get3A_458 = vector.shape_cast %get3A_457 : vector<16xi32> to vector<16xi32>
    %shift_right_logical3A_459 = arith.constant 13 : i32
    %shift_right_logical3A_460 = vector.broadcast %shift_right_logical3A_459 : i32 to vector<16xi32>
    %shift_right_logical3A_461 = arith.shrui %get3A_458, %shift_right_logical3A_460 : vector<16xi32>
    %shift_left3A_462 = arith.constant 12 : i32
    %shift_left3A_463 = vector.broadcast %shift_left3A_462 : i32 to vector<16xi32>
    %shift_left3A_464 = arith.shli %shift_right_logical3A_461, %shift_left3A_463 : vector<16xi32>
    %and3A_465 = arith.constant 4095 : i32
    %and3A_466 = vector.broadcast %and3A_465 : i32 to vector<16xi32>
    %and3A_467 = arith.andi %get3A_458, %and3A_466 : vector<16xi32>
    %or3A_468 = arith.ori %shift_left3A_464, %and3A_467 : vector<16xi32>
    %swap3A_469 = arith.constant 432 : index
    %swap3A_470 = tpu.vector_load %arg5[%swap3A_469] {strides = array<i32>} : memref<1600xi32, #tpu.memory_space<vmem>>, vector<16xi32>,
    %swap3A_471 = vector.shape_cast %swap3A_470 : vector<16xi32> to vector<16xi32>
    %swap3A_472 = vector.shape_cast %or3A_468 : vector<16xi32> to vector<16xi32>
    tpu.vector_store %arg5[%swap3A_469], %swap3A_472 {strides = array<i32>} : memref<1600xi32, #tpu.memory_space<vmem>>, vector<16xi32>,
    %get3A_473 = arith.constant 448 : index
    %get3A_474 = tpu.vector_load %arg5[%get3A_473] {strides = array<i32>} : memref<1600xi32, #tpu.memory_space<vmem>>, vector<16xi32>,
    %get3A_475 = vector.shape_cast %get3A_474 : vector<16xi32> to vector<16xi32>
    %shift_right_logical3A_476 = arith.constant 13 : i32
    %shift_right_logical3A_477 = vector.broadcast %shift_right_logical3A_476 : i32 to vector<16xi32>
    %shift_right_logical3A_478 = arith.shrui %get3A_475, %shift_right_logical3A_477 : vector<16xi32>
    %shift_left3A_479 = arith.constant 12 : i32
    %shift_left3A_480 = vector.broadcast %shift_left3A_479 : i32 to vector<16xi32>
    %shift_left3A_481 = arith.shli %shift_right_logical3A_478, %shift_left3A_480 : vector<16xi32>
    %and3A_482 = arith.constant 4095 : i32
    %and3A_483 = vector.broadcast %and3A_482 : i32 to vector<16xi32>
    %and3A_484 = arith.andi %get3A_475, %and3A_483 : vector<16xi32>
    %or3A_485 = arith.ori %shift_left3A_481, %and3A_484 : vector<16xi32>
    %swap3A_486 = arith.constant 448 : index
    %swap3A_487 = tpu.vector_load %arg5[%swap3A_486] {strides = array<i32>} : memref<1600xi32, #tpu.memory_space<vmem>>, vector<16xi32>,
    %swap3A_488 = vector.shape_cast %swap3A_487 : vector<16xi32> to vector<16xi32>
    %swap3A_489 = vector.shape_cast %or3A_485 : vector<16xi32> to vector<16xi32>
    tpu.vector_store %arg5[%swap3A_486], %swap3A_489 {strides = array<i32>} : memref<1600xi32, #tpu.memory_space<vmem>>, vector<16xi32>,
    %get3A_490 = arith.constant 464 : index
    %get3A_491 = tpu.vector_load %arg5[%get3A_490] {strides = array<i32>} : memref<1600xi32, #tpu.memory_space<vmem>>, vector<16xi32>,
    %get3A_492 = vector.shape_cast %get3A_491 : vector<16xi32> to vector<16xi32>
    %shift_right_logical3A_493 = arith.constant 13 : i32
    %shift_right_logical3A_494 = vector.broadcast %shift_right_logical3A_493 : i32 to vector<16xi32>
    %shift_right_logical3A_495 = arith.shrui %get3A_492, %shift_right_logical3A_494 : vector<16xi32>
    %shift_left3A_496 = arith.constant 12 : i32
    %shift_left3A_497 = vector.broadcast %shift_left3A_496 : i32 to vector<16xi32>
    %shift_left3A_498 = arith.shli %shift_right_logical3A_495, %shift_left3A_497 : vector<16xi32>
    %and3A_499 = arith.constant 4095 : i32
    %and3A_500 = vector.broadcast %and3A_499 : i32 to vector<16xi32>
    %and3A_501 = arith.andi %get3A_492, %and3A_500 : vector<16xi32>
    %or3A_502 = arith.ori %shift_left3A_498, %and3A_501 : vector<16xi32>
    %swap3A_503 = arith.constant 464 : index
    %swap3A_504 = tpu.vector_load %arg5[%swap3A_503] {strides = array<i32>} : memref<1600xi32, #tpu.memory_space<vmem>>, vector<16xi32>,
    %swap3A_505 = vector.shape_cast %swap3A_504 : vector<16xi32> to vector<16xi32>
    %swap3A_506 = vector.shape_cast %or3A_502 : vector<16xi32> to vector<16xi32>
    tpu.vector_store %arg5[%swap3A_503], %swap3A_506 {strides = array<i32>} : memref<1600xi32, #tpu.memory_space<vmem>>, vector<16xi32>,
    %get3A_507 = arith.constant 480 : index
    %get3A_508 = tpu.vector_load %arg5[%get3A_507] {strides = array<i32>} : memref<1600xi32, #tpu.memory_space<vmem>>, vector<16xi32>,
    %get3A_509 = vector.shape_cast %get3A_508 : vector<16xi32> to vector<16xi32>
    %shift_right_logical3A_510 = arith.constant 13 : i32
    %shift_right_logical3A_511 = vector.broadcast %shift_right_logical3A_510 : i32 to vector<16xi32>
    %shift_right_logical3A_512 = arith.shrui %get3A_509, %shift_right_logical3A_511 : vector<16xi32>
    %shift_left3A_513 = arith.constant 12 : i32
    %shift_left3A_514 = vector.broadcast %shift_left3A_513 : i32 to vector<16xi32>
    %shift_left3A_515 = arith.shli %shift_right_logical3A_512, %shift_left3A_514 : vector<16xi32>
    %and3A_516 = arith.constant 4095 : i32
    %and3A_517 = vector.broadcast %and3A_516 : i32 to vector<16xi32>
    %and3A_518 = arith.andi %get3A_509, %and3A_517 : vector<16xi32>
    %or3A_519 = arith.ori %shift_left3A_515, %and3A_518 : vector<16xi32>
    %swap3A_520 = arith.constant 480 : index
    %swap3A_521 = tpu.vector_load %arg5[%swap3A_520] {strides = array<i32>} : memref<1600xi32, #tpu.memory_space<vmem>>, vector<16xi32>,
    %swap3A_522 = vector.shape_cast %swap3A_521 : vector<16xi32> to vector<16xi32>
    %swap3A_523 = vector.shape_cast %or3A_519 : vector<16xi32> to vector<16xi32>
    tpu.vector_store %arg5[%swap3A_520], %swap3A_523 {strides = array<i32>} : memref<1600xi32, #tpu.memory_space<vmem>>, vector<16xi32>,
    %get3A_524 = arith.constant 496 : index
    %get3A_525 = tpu.vector_load %arg5[%get3A_524] {strides = array<i32>} : memref<1600xi32, #tpu.memory_space<vmem>>, vector<16xi32>,
    %get3A_526 = vector.shape_cast %get3A_525 : vector<16xi32> to vector<16xi32>
    %shift_right_logical3A_527 = arith.constant 13 : i32
    %shift_right_logical3A_528 = vector.broadcast %shift_right_logical3A_527 : i32 to vector<16xi32>
    %shift_right_logical3A_529 = arith.shrui %get3A_526, %shift_right_logical3A_528 : vector<16xi32>
    %shift_left3A_530 = arith.constant 12 : i32
    %shift_left3A_531 = vector.broadcast %shift_left3A_530 : i32 to vector<16xi32>
    %shift_left3A_532 = arith.shli %shift_right_logical3A_529, %shift_left3A_531 : vector<16xi32>
    %and3A_533 = arith.constant 4095 : i32
    %and3A_534 = vector.broadcast %and3A_533 : i32 to vector<16xi32>
    %and3A_535 = arith.andi %get3A_526, %and3A_534 : vector<16xi32>
    %or3A_536 = arith.ori %shift_left3A_532, %and3A_535 : vector<16xi32>
    %swap3A_537 = arith.constant 496 : index
    %swap3A_538 = tpu.vector_load %arg5[%swap3A_537] {strides = array<i32>} : memref<1600xi32, #tpu.memory_space<vmem>>, vector<16xi32>,
    %swap3A_539 = vector.shape_cast %swap3A_538 : vector<16xi32> to vector<16xi32>
    %swap3A_540 = vector.shape_cast %or3A_536 : vector<16xi32> to vector<16xi32>
    tpu.vector_store %arg5[%swap3A_537], %swap3A_540 {strides = array<i32>} : memref<1600xi32, #tpu.memory_space<vmem>>, vector<16xi32>,
    %get3A_541 = arith.constant 512 : index
    %get3A_542 = tpu.vector_load %arg5[%get3A_541] {strides = array<i32>} : memref<1600xi32, #tpu.memory_space<vmem>>, vector<16xi32>,
    %get3A_543 = vector.shape_cast %get3A_542 : vector<16xi32> to vector<16xi32>
    %shift_right_logical3A_544 = arith.constant 13 : i32
    %shift_right_logical3A_545 = vector.broadcast %shift_right_logical3A_544 : i32 to vector<16xi32>
    %shift_right_logical3A_546 = arith.shrui %get3A_543, %shift_right_logical3A_545 : vector<16xi32>
    %shift_left3A_547 = arith.constant 12 : i32
    %shift_left3A_548 = vector.broadcast %shift_left3A_547 : i32 to vector<16xi32>
    %shift_left3A_549 = arith.shli %shift_right_logical3A_546, %shift_left3A_548 : vector<16xi32>
    %and3A_550 = arith.constant 4095 : i32
    %and3A_551 = vector.broadcast %and3A_550 : i32 to vector<16xi32>
    %and3A_552 = arith.andi %get3A_543, %and3A_551 : vector<16xi32>
    %or3A_553 = arith.ori %shift_left3A_549, %and3A_552 : vector<16xi32>
    %swap3A_554 = arith.constant 512 : index
    %swap3A_555 = tpu.vector_load %arg5[%swap3A_554] {strides = array<i32>} : memref<1600xi32, #tpu.memory_space<vmem>>, vector<16xi32>,
    %swap3A_556 = vector.shape_cast %swap3A_555 : vector<16xi32> to vector<16xi32>
    %swap3A_557 = vector.shape_cast %or3A_553 : vector<16xi32> to vector<16xi32>
    tpu.vector_store %arg5[%swap3A_554], %swap3A_557 {strides = array<i32>} : memref<1600xi32, #tpu.memory_space<vmem>>, vector<16xi32>,
    %get3A_558 = arith.constant 528 : index
    %get3A_559 = tpu.vector_load %arg5[%get3A_558] {strides = array<i32>} : memref<1600xi32, #tpu.memory_space<vmem>>, vector<16xi32>,
    %get3A_560 = vector.shape_cast %get3A_559 : vector<16xi32> to vector<16xi32>
    %shift_right_logical3A_561 = arith.constant 13 : i32
    %shift_right_logical3A_562 = vector.broadcast %shift_right_logical3A_561 : i32 to vector<16xi32>
    %shift_right_logical3A_563 = arith.shrui %get3A_560, %shift_right_logical3A_562 : vector<16xi32>
    %shift_left3A_564 = arith.constant 12 : i32
    %shift_left3A_565 = vector.broadcast %shift_left3A_564 : i32 to vector<16xi32>
    %shift_left3A_566 = arith.shli %shift_right_logical3A_563, %shift_left3A_565 : vector<16xi32>
    %and3A_567 = arith.constant 4095 : i32
    %and3A_568 = vector.broadcast %and3A_567 : i32 to vector<16xi32>
    %and3A_569 = arith.andi %get3A_560, %and3A_568 : vector<16xi32>
    %or3A_570 = arith.ori %shift_left3A_566, %and3A_569 : vector<16xi32>
    %swap3A_571 = arith.constant 528 : index
    %swap3A_572 = tpu.vector_load %arg5[%swap3A_571] {strides = array<i32>} : memref<1600xi32, #tpu.memory_space<vmem>>, vector<16xi32>,
    %swap3A_573 = vector.shape_cast %swap3A_572 : vector<16xi32> to vector<16xi32>
    %swap3A_574 = vector.shape_cast %or3A_570 : vector<16xi32> to vector<16xi32>
    tpu.vector_store %arg5[%swap3A_571], %swap3A_574 {strides = array<i32>} : memref<1600xi32, #tpu.memory_space<vmem>>, vector<16xi32>,
    %get3A_575 = arith.constant 544 : index
    %get3A_576 = tpu.vector_load %arg5[%get3A_575] {strides = array<i32>} : memref<1600xi32, #tpu.memory_space<vmem>>, vector<16xi32>,
    %get3A_577 = vector.shape_cast %get3A_576 : vector<16xi32> to vector<16xi32>
    %shift_right_logical3A_578 = arith.constant 13 : i32
    %shift_right_logical3A_579 = vector.broadcast %shift_right_logical3A_578 : i32 to vector<16xi32>
    %shift_right_logical3A_580 = arith.shrui %get3A_577, %shift_right_logical3A_579 : vector<16xi32>
    %shift_left3A_581 = arith.constant 12 : i32
    %shift_left3A_582 = vector.broadcast %shift_left3A_581 : i32 to vector<16xi32>
    %shift_left3A_583 = arith.shli %shift_right_logical3A_580, %shift_left3A_582 : vector<16xi32>
    %and3A_584 = arith.constant 4095 : i32
    %and3A_585 = vector.broadcast %and3A_584 : i32 to vector<16xi32>
    %and3A_586 = arith.andi %get3A_577, %and3A_585 : vector<16xi32>
    %or3A_587 = arith.ori %shift_left3A_583, %and3A_586 : vector<16xi32>
    %swap3A_588 = arith.constant 544 : index
    %swap3A_589 = tpu.vector_load %arg5[%swap3A_588] {strides = array<i32>} : memref<1600xi32, #tpu.memory_space<vmem>>, vector<16xi32>,
    %swap3A_590 = vector.shape_cast %swap3A_589 : vector<16xi32> to vector<16xi32>
    %swap3A_591 = vector.shape_cast %or3A_587 : vector<16xi32> to vector<16xi32>
    tpu.vector_store %arg5[%swap3A_588], %swap3A_591 {strides = array<i32>} : memref<1600xi32, #tpu.memory_space<vmem>>, vector<16xi32>,
    %get3A_592 = arith.constant 560 : index
    %get3A_593 = tpu.vector_load %arg5[%get3A_592] {strides = array<i32>} : memref<1600xi32, #tpu.memory_space<vmem>>, vector<16xi32>,
    %get3A_594 = vector.shape_cast %get3A_593 : vector<16xi32> to vector<16xi32>
    %shift_right_logical3A_595 = arith.constant 13 : i32
    %shift_right_logical3A_596 = vector.broadcast %shift_right_logical3A_595 : i32 to vector<16xi32>
    %shift_right_logical3A_597 = arith.shrui %get3A_594, %shift_right_logical3A_596 : vector<16xi32>
    %shift_left3A_598 = arith.constant 12 : i32
    %shift_left3A_599 = vector.broadcast %shift_left3A_598 : i32 to vector<16xi32>
    %shift_left3A_600 = arith.shli %shift_right_logical3A_597, %shift_left3A_599 : vector<16xi32>
    %and3A_601 = arith.constant 4095 : i32
    %and3A_602 = vector.broadcast %and3A_601 : i32 to vector<16xi32>
    %and3A_603 = arith.andi %get3A_594, %and3A_602 : vector<16xi32>
    %or3A_604 = arith.ori %shift_left3A_600, %and3A_603 : vector<16xi32>
    %swap3A_605 = arith.constant 560 : index
    %swap3A_606 = tpu.vector_load %arg5[%swap3A_605] {strides = array<i32>} : memref<1600xi32, #tpu.memory_space<vmem>>, vector<16xi32>,
    %swap3A_607 = vector.shape_cast %swap3A_606 : vector<16xi32> to vector<16xi32>
    %swap3A_608 = vector.shape_cast %or3A_604 : vector<16xi32> to vector<16xi32>
    tpu.vector_store %arg5[%swap3A_605], %swap3A_608 {strides = array<i32>} : memref<1600xi32, #tpu.memory_space<vmem>>, vector<16xi32>,
    %get3A_609 = arith.constant 576 : index
    %get3A_610 = tpu.vector_load %arg5[%get3A_609] {strides = array<i32>} : memref<1600xi32, #tpu.memory_space<vmem>>, vector<16xi32>,
    %get3A_611 = vector.shape_cast %get3A_610 : vector<16xi32> to vector<16xi32>
    %shift_right_logical3A_612 = arith.constant 13 : i32
    %shift_right_logical3A_613 = vector.broadcast %shift_right_logical3A_612 : i32 to vector<16xi32>
    %shift_right_logical3A_614 = arith.shrui %get3A_611, %shift_right_logical3A_613 : vector<16xi32>
    %shift_left3A_615 = arith.constant 12 : i32
    %shift_left3A_616 = vector.broadcast %shift_left3A_615 : i32 to vector<16xi32>
    %shift_left3A_617 = arith.shli %shift_right_logical3A_614, %shift_left3A_616 : vector<16xi32>
    %and3A_618 = arith.constant 4095 : i32
    %and3A_619 = vector.broadcast %and3A_618 : i32 to vector<16xi32>
    %and3A_620 = arith.andi %get3A_611, %and3A_619 : vector<16xi32>
    %or3A_621 = arith.ori %shift_left3A_617, %and3A_620 : vector<16xi32>
    %swap3A_622 = arith.constant 576 : index
    %swap3A_623 = tpu.vector_load %arg5[%swap3A_622] {strides = array<i32>} : memref<1600xi32, #tpu.memory_space<vmem>>, vector<16xi32>,
    %swap3A_624 = vector.shape_cast %swap3A_623 : vector<16xi32> to vector<16xi32>
    %swap3A_625 = vector.shape_cast %or3A_621 : vector<16xi32> to vector<16xi32>
    tpu.vector_store %arg5[%swap3A_622], %swap3A_625 {strides = array<i32>} : memref<1600xi32, #tpu.memory_space<vmem>>, vector<16xi32>,
    %get3A_626 = arith.constant 592 : index
    %get3A_627 = tpu.vector_load %arg5[%get3A_626] {strides = array<i32>} : memref<1600xi32, #tpu.memory_space<vmem>>, vector<16xi32>,
    %get3A_628 = vector.shape_cast %get3A_627 : vector<16xi32> to vector<16xi32>
    %shift_right_logical3A_629 = arith.constant 13 : i32
    %shift_right_logical3A_630 = vector.broadcast %shift_right_logical3A_629 : i32 to vector<16xi32>
    %shift_right_logical3A_631 = arith.shrui %get3A_628, %shift_right_logical3A_630 : vector<16xi32>
    %shift_left3A_632 = arith.constant 12 : i32
    %shift_left3A_633 = vector.broadcast %shift_left3A_632 : i32 to vector<16xi32>
    %shift_left3A_634 = arith.shli %shift_right_logical3A_631, %shift_left3A_633 : vector<16xi32>
    %and3A_635 = arith.constant 4095 : i32
    %and3A_636 = vector.broadcast %and3A_635 : i32 to vector<16xi32>
    %and3A_637 = arith.andi %get3A_628, %and3A_636 : vector<16xi32>
    %or3A_638 = arith.ori %shift_left3A_634, %and3A_637 : vector<16xi32>
    %swap3A_639 = arith.constant 592 : index
    %swap3A_640 = tpu.vector_load %arg5[%swap3A_639] {strides = array<i32>} : memref<1600xi32, #tpu.memory_space<vmem>>, vector<16xi32>,
    %swap3A_641 = vector.shape_cast %swap3A_640 : vector<16xi32> to vector<16xi32>
    %swap3A_642 = vector.shape_cast %or3A_638 : vector<16xi32> to vector<16xi32>
    tpu.vector_store %arg5[%swap3A_639], %swap3A_642 {strides = array<i32>} : memref<1600xi32, #tpu.memory_space<vmem>>, vector<16xi32>,
    %get3A_643 = arith.constant 608 : index
    %get3A_644 = tpu.vector_load %arg5[%get3A_643] {strides = array<i32>} : memref<1600xi32, #tpu.memory_space<vmem>>, vector<16xi32>,
    %get3A_645 = vector.shape_cast %get3A_644 : vector<16xi32> to vector<16xi32>
    %shift_right_logical3A_646 = arith.constant 13 : i32
    %shift_right_logical3A_647 = vector.broadcast %shift_right_logical3A_646 : i32 to vector<16xi32>
    %shift_right_logical3A_648 = arith.shrui %get3A_645, %shift_right_logical3A_647 : vector<16xi32>
    %shift_left3A_649 = arith.constant 12 : i32
    %shift_left3A_650 = vector.broadcast %shift_left3A_649 : i32 to vector<16xi32>
    %shift_left3A_651 = arith.shli %shift_right_logical3A_648, %shift_left3A_650 : vector<16xi32>
    %and3A_652 = arith.constant 4095 : i32
    %and3A_653 = vector.broadcast %and3A_652 : i32 to vector<16xi32>
    %and3A_654 = arith.andi %get3A_645, %and3A_653 : vector<16xi32>
    %or3A_655 = arith.ori %shift_left3A_651, %and3A_654 : vector<16xi32>
    %swap3A_656 = arith.constant 608 : index
    %swap3A_657 = tpu.vector_load %arg5[%swap3A_656] {strides = array<i32>} : memref<1600xi32, #tpu.memory_space<vmem>>, vector<16xi32>,
    %swap3A_658 = vector.shape_cast %swap3A_657 : vector<16xi32> to vector<16xi32>
    %swap3A_659 = vector.shape_cast %or3A_655 : vector<16xi32> to vector<16xi32>
    tpu.vector_store %arg5[%swap3A_656], %swap3A_659 {strides = array<i32>} : memref<1600xi32, #tpu.memory_space<vmem>>, vector<16xi32>,
    %get3A_660 = arith.constant 624 : index
    %get3A_661 = tpu.vector_load %arg5[%get3A_660] {strides = array<i32>} : memref<1600xi32, #tpu.memory_space<vmem>>, vector<16xi32>,
    %get3A_662 = vector.shape_cast %get3A_661 : vector<16xi32> to vector<16xi32>
    %shift_right_logical3A_663 = arith.constant 13 : i32
    %shift_right_logical3A_664 = vector.broadcast %shift_right_logical3A_663 : i32 to vector<16xi32>
    %shift_right_logical3A_665 = arith.shrui %get3A_662, %shift_right_logical3A_664 : vector<16xi32>
    %shift_left3A_666 = arith.constant 12 : i32
    %shift_left3A_667 = vector.broadcast %shift_left3A_666 : i32 to vector<16xi32>
    %shift_left3A_668 = arith.shli %shift_right_logical3A_665, %shift_left3A_667 : vector<16xi32>
    %and3A_669 = arith.constant 4095 : i32
    %and3A_670 = vector.broadcast %and3A_669 : i32 to vector<16xi32>
    %and3A_671 = arith.andi %get3A_662, %and3A_670 : vector<16xi32>
    %or3A_672 = arith.ori %shift_left3A_668, %and3A_671 : vector<16xi32>
    %swap3A_673 = arith.constant 624 : index
    %swap3A_674 = tpu.vector_load %arg5[%swap3A_673] {strides = array<i32>} : memref<1600xi32, #tpu.memory_space<vmem>>, vector<16xi32>,
    %swap3A_675 = vector.shape_cast %swap3A_674 : vector<16xi32> to vector<16xi32>
    %swap3A_676 = vector.shape_cast %or3A_672 : vector<16xi32> to vector<16xi32>
    tpu.vector_store %arg5[%swap3A_673], %swap3A_676 {strides = array<i32>} : memref<1600xi32, #tpu.memory_space<vmem>>, vector<16xi32>,
    %get3A_677 = arith.constant 640 : index
    %get3A_678 = tpu.vector_load %arg5[%get3A_677] {strides = array<i32>} : memref<1600xi32, #tpu.memory_space<vmem>>, vector<16xi32>,
    %get3A_679 = vector.shape_cast %get3A_678 : vector<16xi32> to vector<16xi32>
    %shift_right_logical3A_680 = arith.constant 13 : i32
    %shift_right_logical3A_681 = vector.broadcast %shift_right_logical3A_680 : i32 to vector<16xi32>
    %shift_right_logical3A_682 = arith.shrui %get3A_679, %shift_right_logical3A_681 : vector<16xi32>
    %shift_left3A_683 = arith.constant 12 : i32
    %shift_left3A_684 = vector.broadcast %shift_left3A_683 : i32 to vector<16xi32>
    %shift_left3A_685 = arith.shli %shift_right_logical3A_682, %shift_left3A_684 : vector<16xi32>
    %and3A_686 = arith.constant 4095 : i32
    %and3A_687 = vector.broadcast %and3A_686 : i32 to vector<16xi32>
    %and3A_688 = arith.andi %get3A_679, %and3A_687 : vector<16xi32>
    %or3A_689 = arith.ori %shift_left3A_685, %and3A_688 : vector<16xi32>
    %swap3A_690 = arith.constant 640 : index
    %swap3A_691 = tpu.vector_load %arg5[%swap3A_690] {strides = array<i32>} : memref<1600xi32, #tpu.memory_space<vmem>>, vector<16xi32>,
    %swap3A_692 = vector.shape_cast %swap3A_691 : vector<16xi32> to vector<16xi32>
    %swap3A_693 = vector.shape_cast %or3A_689 : vector<16xi32> to vector<16xi32>
    tpu.vector_store %arg5[%swap3A_690], %swap3A_693 {strides = array<i32>} : memref<1600xi32, #tpu.memory_space<vmem>>, vector<16xi32>,
    %get3A_694 = arith.constant 656 : index
    %get3A_695 = tpu.vector_load %arg5[%get3A_694] {strides = array<i32>} : memref<1600xi32, #tpu.memory_space<vmem>>, vector<16xi32>,
    %get3A_696 = vector.shape_cast %get3A_695 : vector<16xi32> to vector<16xi32>
    %shift_right_logical3A_697 = arith.constant 13 : i32
    %shift_right_logical3A_698 = vector.broadcast %shift_right_logical3A_697 : i32 to vector<16xi32>
    %shift_right_logical3A_699 = arith.shrui %get3A_696, %shift_right_logical3A_698 : vector<16xi32>
    %shift_left3A_700 = arith.constant 12 : i32
    %shift_left3A_701 = vector.broadcast %shift_left3A_700 : i32 to vector<16xi32>
    %shift_left3A_702 = arith.shli %shift_right_logical3A_699, %shift_left3A_701 : vector<16xi32>
    %and3A_703 = arith.constant 4095 : i32
    %and3A_704 = vector.broadcast %and3A_703 : i32 to vector<16xi32>
    %and3A_705 = arith.andi %get3A_696, %and3A_704 : vector<16xi32>
    %or3A_706 = arith.ori %shift_left3A_702, %and3A_705 : vector<16xi32>
    %swap3A_707 = arith.constant 656 : index
    %swap3A_708 = tpu.vector_load %arg5[%swap3A_707] {strides = array<i32>} : memref<1600xi32, #tpu.memory_space<vmem>>, vector<16xi32>,
    %swap3A_709 = vector.shape_cast %swap3A_708 : vector<16xi32> to vector<16xi32>
    %swap3A_710 = vector.shape_cast %or3A_706 : vector<16xi32> to vector<16xi32>
    tpu.vector_store %arg5[%swap3A_707], %swap3A_710 {strides = array<i32>} : memref<1600xi32, #tpu.memory_space<vmem>>, vector<16xi32>,
    %get3A_711 = arith.constant 672 : index
    %get3A_712 = tpu.vector_load %arg5[%get3A_711] {strides = array<i32>} : memref<1600xi32, #tpu.memory_space<vmem>>, vector<16xi32>,
    %get3A_713 = vector.shape_cast %get3A_712 : vector<16xi32> to vector<16xi32>
    %shift_right_logical3A_714 = arith.constant 13 : i32
    %shift_right_logical3A_715 = vector.broadcast %shift_right_logical3A_714 : i32 to vector<16xi32>
    %shift_right_logical3A_716 = arith.shrui %get3A_713, %shift_right_logical3A_715 : vector<16xi32>
    %shift_left3A_717 = arith.constant 12 : i32
    %shift_left3A_718 = vector.broadcast %shift_left3A_717 : i32 to vector<16xi32>
    %shift_left3A_719 = arith.shli %shift_right_logical3A_716, %shift_left3A_718 : vector<16xi32>
    %and3A_720 = arith.constant 4095 : i32
    %and3A_721 = vector.broadcast %and3A_720 : i32 to vector<16xi32>
    %and3A_722 = arith.andi %get3A_713, %and3A_721 : vector<16xi32>
    %or3A_723 = arith.ori %shift_left3A_719, %and3A_722 : vector<16xi32>
    %swap3A_724 = arith.constant 672 : index
    %swap3A_725 = tpu.vector_load %arg5[%swap3A_724] {strides = array<i32>} : memref<1600xi32, #tpu.memory_space<vmem>>, vector<16xi32>,
    %swap3A_726 = vector.shape_cast %swap3A_725 : vector<16xi32> to vector<16xi32>
    %swap3A_727 = vector.shape_cast %or3A_723 : vector<16xi32> to vector<16xi32>
    tpu.vector_store %arg5[%swap3A_724], %swap3A_727 {strides = array<i32>} : memref<1600xi32, #tpu.memory_space<vmem>>, vector<16xi32>,
    %get3A_728 = arith.constant 688 : index
    %get3A_729 = tpu.vector_load %arg5[%get3A_728] {strides = array<i32>} : memref<1600xi32, #tpu.memory_space<vmem>>, vector<16xi32>,
    %get3A_730 = vector.shape_cast %get3A_729 : vector<16xi32> to vector<16xi32>
    %shift_right_logical3A_731 = arith.constant 13 : i32
    %shift_right_logical3A_732 = vector.broadcast %shift_right_logical3A_731 : i32 to vector<16xi32>
    %shift_right_logical3A_733 = arith.shrui %get3A_730, %shift_right_logical3A_732 : vector<16xi32>
    %shift_left3A_734 = arith.constant 12 : i32
    %shift_left3A_735 = vector.broadcast %shift_left3A_734 : i32 to vector<16xi32>
    %shift_left3A_736 = arith.shli %shift_right_logical3A_733, %shift_left3A_735 : vector<16xi32>
    %and3A_737 = arith.constant 4095 : i32
    %and3A_738 = vector.broadcast %and3A_737 : i32 to vector<16xi32>
    %and3A_739 = arith.andi %get3A_730, %and3A_738 : vector<16xi32>
    %or3A_740 = arith.ori %shift_left3A_736, %and3A_739 : vector<16xi32>
    %swap3A_741 = arith.constant 688 : index
    %swap3A_742 = tpu.vector_load %arg5[%swap3A_741] {strides = array<i32>} : memref<1600xi32, #tpu.memory_space<vmem>>, vector<16xi32>,
    %swap3A_743 = vector.shape_cast %swap3A_742 : vector<16xi32> to vector<16xi32>
    %swap3A_744 = vector.shape_cast %or3A_740 : vector<16xi32> to vector<16xi32>
    tpu.vector_store %arg5[%swap3A_741], %swap3A_744 {strides = array<i32>} : memref<1600xi32, #tpu.memory_space<vmem>>, vector<16xi32>,
    %get3A_745 = arith.constant 704 : index
    %get3A_746 = tpu.vector_load %arg5[%get3A_745] {strides = array<i32>} : memref<1600xi32, #tpu.memory_space<vmem>>, vector<16xi32>,
    %get3A_747 = vector.shape_cast %get3A_746 : vector<16xi32> to vector<16xi32>
    %shift_right_logical3A_748 = arith.constant 13 : i32
    %shift_right_logical3A_749 = vector.broadcast %shift_right_logical3A_748 : i32 to vector<16xi32>
    %shift_right_logical3A_750 = arith.shrui %get3A_747, %shift_right_logical3A_749 : vector<16xi32>
    %shift_left3A_751 = arith.constant 12 : i32
    %shift_left3A_752 = vector.broadcast %shift_left3A_751 : i32 to vector<16xi32>
    %shift_left3A_753 = arith.shli %shift_right_logical3A_750, %shift_left3A_752 : vector<16xi32>
    %and3A_754 = arith.constant 4095 : i32
    %and3A_755 = vector.broadcast %and3A_754 : i32 to vector<16xi32>
    %and3A_756 = arith.andi %get3A_747, %and3A_755 : vector<16xi32>
    %or3A_757 = arith.ori %shift_left3A_753, %and3A_756 : vector<16xi32>
    %swap3A_758 = arith.constant 704 : index
    %swap3A_759 = tpu.vector_load %arg5[%swap3A_758] {strides = array<i32>} : memref<1600xi32, #tpu.memory_space<vmem>>, vector<16xi32>,
    %swap3A_760 = vector.shape_cast %swap3A_759 : vector<16xi32> to vector<16xi32>
    %swap3A_761 = vector.shape_cast %or3A_757 : vector<16xi32> to vector<16xi32>
    tpu.vector_store %arg5[%swap3A_758], %swap3A_761 {strides = array<i32>} : memref<1600xi32, #tpu.memory_space<vmem>>, vector<16xi32>,
    %get3A_762 = arith.constant 720 : index
    %get3A_763 = tpu.vector_load %arg5[%get3A_762] {strides = array<i32>} : memref<1600xi32, #tpu.memory_space<vmem>>, vector<16xi32>,
    %get3A_764 = vector.shape_cast %get3A_763 : vector<16xi32> to vector<16xi32>
    %shift_right_logical3A_765 = arith.constant 13 : i32
    %shift_right_logical3A_766 = vector.broadcast %shift_right_logical3A_765 : i32 to vector<16xi32>
    %shift_right_logical3A_767 = arith.shrui %get3A_764, %shift_right_logical3A_766 : vector<16xi32>
    %shift_left3A_768 = arith.constant 12 : i32
    %shift_left3A_769 = vector.broadcast %shift_left3A_768 : i32 to vector<16xi32>
    %shift_left3A_770 = arith.shli %shift_right_logical3A_767, %shift_left3A_769 : vector<16xi32>
    %and3A_771 = arith.constant 4095 : i32
    %and3A_772 = vector.broadcast %and3A_771 : i32 to vector<16xi32>
    %and3A_773 = arith.andi %get3A_764, %and3A_772 : vector<16xi32>
    %or3A_774 = arith.ori %shift_left3A_770, %and3A_773 : vector<16xi32>
    %swap3A_775 = arith.constant 720 : index
    %swap3A_776 = tpu.vector_load %arg5[%swap3A_775] {strides = array<i32>} : memref<1600xi32, #tpu.memory_space<vmem>>, vector<16xi32>,
    %swap3A_777 = vector.shape_cast %swap3A_776 : vector<16xi32> to vector<16xi32>
    %swap3A_778 = vector.shape_cast %or3A_774 : vector<16xi32> to vector<16xi32>
    tpu.vector_store %arg5[%swap3A_775], %swap3A_778 {strides = array<i32>} : memref<1600xi32, #tpu.memory_space<vmem>>, vector<16xi32>,
    %get3A_779 = arith.constant 736 : index
    %get3A_780 = tpu.vector_load %arg5[%get3A_779] {strides = array<i32>} : memref<1600xi32, #tpu.memory_space<vmem>>, vector<16xi32>,
    %get3A_781 = vector.shape_cast %get3A_780 : vector<16xi32> to vector<16xi32>
    %shift_right_logical3A_782 = arith.constant 13 : i32
    %shift_right_logical3A_783 = vector.broadcast %shift_right_logical3A_782 : i32 to vector<16xi32>
    %shift_right_logical3A_784 = arith.shrui %get3A_781, %shift_right_logical3A_783 : vector<16xi32>
    %shift_left3A_785 = arith.constant 12 : i32
    %shift_left3A_786 = vector.broadcast %shift_left3A_785 : i32 to vector<16xi32>
    %shift_left3A_787 = arith.shli %shift_right_logical3A_784, %shift_left3A_786 : vector<16xi32>
    %and3A_788 = arith.constant 4095 : i32
    %and3A_789 = vector.broadcast %and3A_788 : i32 to vector<16xi32>
    %and3A_790 = arith.andi %get3A_781, %and3A_789 : vector<16xi32>
    %or3A_791 = arith.ori %shift_left3A_787, %and3A_790 : vector<16xi32>
    %swap3A_792 = arith.constant 736 : index
    %swap3A_793 = tpu.vector_load %arg5[%swap3A_792] {strides = array<i32>} : memref<1600xi32, #tpu.memory_space<vmem>>, vector<16xi32>,
    %swap3A_794 = vector.shape_cast %swap3A_793 : vector<16xi32> to vector<16xi32>
    %swap3A_795 = vector.shape_cast %or3A_791 : vector<16xi32> to vector<16xi32>
    tpu.vector_store %arg5[%swap3A_792], %swap3A_795 {strides = array<i32>} : memref<1600xi32, #tpu.memory_space<vmem>>, vector<16xi32>,
    %get3A_796 = arith.constant 752 : index
    %get3A_797 = tpu.vector_load %arg5[%get3A_796] {strides = array<i32>} : memref<1600xi32, #tpu.memory_space<vmem>>, vector<16xi32>,
    %get3A_798 = vector.shape_cast %get3A_797 : vector<16xi32> to vector<16xi32>
    %shift_right_logical3A_799 = arith.constant 13 : i32
    %shift_right_logical3A_800 = vector.broadcast %shift_right_logical3A_799 : i32 to vector<16xi32>
    %shift_right_logical3A_801 = arith.shrui %get3A_798, %shift_right_logical3A_800 : vector<16xi32>
    %shift_left3A_802 = arith.constant 12 : i32
    %shift_left3A_803 = vector.broadcast %shift_left3A_802 : i32 to vector<16xi32>
    %shift_left3A_804 = arith.shli %shift_right_logical3A_801, %shift_left3A_803 : vector<16xi32>
    %and3A_805 = arith.constant 4095 : i32
    %and3A_806 = vector.broadcast %and3A_805 : i32 to vector<16xi32>
    %and3A_807 = arith.andi %get3A_798, %and3A_806 : vector<16xi32>
    %or3A_808 = arith.ori %shift_left3A_804, %and3A_807 : vector<16xi32>
    %swap3A_809 = arith.constant 752 : index
    %swap3A_810 = tpu.vector_load %arg5[%swap3A_809] {strides = array<i32>} : memref<1600xi32, #tpu.memory_space<vmem>>, vector<16xi32>,
    %swap3A_811 = vector.shape_cast %swap3A_810 : vector<16xi32> to vector<16xi32>
    %swap3A_812 = vector.shape_cast %or3A_808 : vector<16xi32> to vector<16xi32>
    tpu.vector_store %arg5[%swap3A_809], %swap3A_812 {strides = array<i32>} : memref<1600xi32, #tpu.memory_space<vmem>>, vector<16xi32>,
    %get3A_813 = arith.constant 768 : index
    %get3A_814 = tpu.vector_load %arg5[%get3A_813] {strides = array<i32>} : memref<1600xi32, #tpu.memory_space<vmem>>, vector<16xi32>,
    %get3A_815 = vector.shape_cast %get3A_814 : vector<16xi32> to vector<16xi32>
    %shift_right_logical3A_816 = arith.constant 13 : i32
    %shift_right_logical3A_817 = vector.broadcast %shift_right_logical3A_816 : i32 to vector<16xi32>
    %shift_right_logical3A_818 = arith.shrui %get3A_815, %shift_right_logical3A_817 : vector<16xi32>
    %shift_left3A_819 = arith.constant 12 : i32
    %shift_left3A_820 = vector.broadcast %shift_left3A_819 : i32 to vector<16xi32>
    %shift_left3A_821 = arith.shli %shift_right_logical3A_818, %shift_left3A_820 : vector<16xi32>
    %and3A_822 = arith.constant 4095 : i32
    %and3A_823 = vector.broadcast %and3A_822 : i32 to vector<16xi32>
    %and3A_824 = arith.andi %get3A_815, %and3A_823 : vector<16xi32>
    %or3A_825 = arith.ori %shift_left3A_821, %and3A_824 : vector<16xi32>
    %swap3A_826 = arith.constant 768 : index
    %swap3A_827 = tpu.vector_load %arg5[%swap3A_826] {strides = array<i32>} : memref<1600xi32, #tpu.memory_space<vmem>>, vector<16xi32>,
    %swap3A_828 = vector.shape_cast %swap3A_827 : vector<16xi32> to vector<16xi32>
    %swap3A_829 = vector.shape_cast %or3A_825 : vector<16xi32> to vector<16xi32>
    tpu.vector_store %arg5[%swap3A_826], %swap3A_829 {strides = array<i32>} : memref<1600xi32, #tpu.memory_space<vmem>>, vector<16xi32>,
    %get3A_830 = arith.constant 784 : index
    %get3A_831 = tpu.vector_load %arg5[%get3A_830] {strides = array<i32>} : memref<1600xi32, #tpu.memory_space<vmem>>, vector<16xi32>,
    %get3A_832 = vector.shape_cast %get3A_831 : vector<16xi32> to vector<16xi32>
    %shift_right_logical3A_833 = arith.constant 13 : i32
    %shift_right_logical3A_834 = vector.broadcast %shift_right_logical3A_833 : i32 to vector<16xi32>
    %shift_right_logical3A_835 = arith.shrui %get3A_832, %shift_right_logical3A_834 : vector<16xi32>
    %shift_left3A_836 = arith.constant 12 : i32
    %shift_left3A_837 = vector.broadcast %shift_left3A_836 : i32 to vector<16xi32>
    %shift_left3A_838 = arith.shli %shift_right_logical3A_835, %shift_left3A_837 : vector<16xi32>
    %and3A_839 = arith.constant 4095 : i32
    %and3A_840 = vector.broadcast %and3A_839 : i32 to vector<16xi32>
    %and3A_841 = arith.andi %get3A_832, %and3A_840 : vector<16xi32>
    %or3A_842 = arith.ori %shift_left3A_838, %and3A_841 : vector<16xi32>
    %swap3A_843 = arith.constant 784 : index
    %swap3A_844 = tpu.vector_load %arg5[%swap3A_843] {strides = array<i32>} : memref<1600xi32, #tpu.memory_space<vmem>>, vector<16xi32>,
    %swap3A_845 = vector.shape_cast %swap3A_844 : vector<16xi32> to vector<16xi32>
    %swap3A_846 = vector.shape_cast %or3A_842 : vector<16xi32> to vector<16xi32>
    tpu.vector_store %arg5[%swap3A_843], %swap3A_846 {strides = array<i32>} : memref<1600xi32, #tpu.memory_space<vmem>>, vector<16xi32>,
    %get3A_847 = arith.constant 800 : index
    %get3A_848 = tpu.vector_load %arg5[%get3A_847] {strides = array<i32>} : memref<1600xi32, #tpu.memory_space<vmem>>, vector<16xi32>,
    %get3A_849 = vector.shape_cast %get3A_848 : vector<16xi32> to vector<16xi32>
    %shift_right_logical3A_850 = arith.constant 13 : i32
    %shift_right_logical3A_851 = vector.broadcast %shift_right_logical3A_850 : i32 to vector<16xi32>
    %shift_right_logical3A_852 = arith.shrui %get3A_849, %shift_right_logical3A_851 : vector<16xi32>
    %shift_left3A_853 = arith.constant 12 : i32
    %shift_left3A_854 = vector.broadcast %shift_left3A_853 : i32 to vector<16xi32>
    %shift_left3A_855 = arith.shli %shift_right_logical3A_852, %shift_left3A_854 : vector<16xi32>
    %and3A_856 = arith.constant 4095 : i32
    %and3A_857 = vector.broadcast %and3A_856 : i32 to vector<16xi32>
    %and3A_858 = arith.andi %get3A_849, %and3A_857 : vector<16xi32>
    %or3A_859 = arith.ori %shift_left3A_855, %and3A_858 : vector<16xi32>
    %swap3A_860 = arith.constant 800 : index
    %swap3A_861 = tpu.vector_load %arg5[%swap3A_860] {strides = array<i32>} : memref<1600xi32, #tpu.memory_space<vmem>>, vector<16xi32>,
    %swap3A_862 = vector.shape_cast %swap3A_861 : vector<16xi32> to vector<16xi32>
    %swap3A_863 = vector.shape_cast %or3A_859 : vector<16xi32> to vector<16xi32>
    tpu.vector_store %arg5[%swap3A_860], %swap3A_863 {strides = array<i32>} : memref<1600xi32, #tpu.memory_space<vmem>>, vector<16xi32>,
    %get3A_864 = arith.constant 816 : index
    %get3A_865 = tpu.vector_load %arg5[%get3A_864] {strides = array<i32>} : memref<1600xi32, #tpu.memory_space<vmem>>, vector<16xi32>,
    %get3A_866 = vector.shape_cast %get3A_865 : vector<16xi32> to vector<16xi32>
    %shift_right_logical3A_867 = arith.constant 13 : i32
    %shift_right_logical3A_868 = vector.broadcast %shift_right_logical3A_867 : i32 to vector<16xi32>
    %shift_right_logical3A_869 = arith.shrui %get3A_866, %shift_right_logical3A_868 : vector<16xi32>
    %shift_left3A_870 = arith.constant 12 : i32
    %shift_left3A_871 = vector.broadcast %shift_left3A_870 : i32 to vector<16xi32>
    %shift_left3A_872 = arith.shli %shift_right_logical3A_869, %shift_left3A_871 : vector<16xi32>
    %and3A_873 = arith.constant 4095 : i32
    %and3A_874 = vector.broadcast %and3A_873 : i32 to vector<16xi32>
    %and3A_875 = arith.andi %get3A_866, %and3A_874 : vector<16xi32>
    %or3A_876 = arith.ori %shift_left3A_872, %and3A_875 : vector<16xi32>
    %swap3A_877 = arith.constant 816 : index
    %swap3A_878 = tpu.vector_load %arg5[%swap3A_877] {strides = array<i32>} : memref<1600xi32, #tpu.memory_space<vmem>>, vector<16xi32>,
    %swap3A_879 = vector.shape_cast %swap3A_878 : vector<16xi32> to vector<16xi32>
    %swap3A_880 = vector.shape_cast %or3A_876 : vector<16xi32> to vector<16xi32>
    tpu.vector_store %arg5[%swap3A_877], %swap3A_880 {strides = array<i32>} : memref<1600xi32, #tpu.memory_space<vmem>>, vector<16xi32>,
    %get3A_881 = arith.constant 832 : index
    %get3A_882 = tpu.vector_load %arg5[%get3A_881] {strides = array<i32>} : memref<1600xi32, #tpu.memory_space<vmem>>, vector<16xi32>,
    %get3A_883 = vector.shape_cast %get3A_882 : vector<16xi32> to vector<16xi32>
    %shift_right_logical3A_884 = arith.constant 13 : i32
    %shift_right_logical3A_885 = vector.broadcast %shift_right_logical3A_884 : i32 to vector<16xi32>
    %shift_right_logical3A_886 = arith.shrui %get3A_883, %shift_right_logical3A_885 : vector<16xi32>
    %shift_left3A_887 = arith.constant 12 : i32
    %shift_left3A_888 = vector.broadcast %shift_left3A_887 : i32 to vector<16xi32>
    %shift_left3A_889 = arith.shli %shift_right_logical3A_886, %shift_left3A_888 : vector<16xi32>
    %and3A_890 = arith.constant 4095 : i32
    %and3A_891 = vector.broadcast %and3A_890 : i32 to vector<16xi32>
    %and3A_892 = arith.andi %get3A_883, %and3A_891 : vector<16xi32>
    %or3A_893 = arith.ori %shift_left3A_889, %and3A_892 : vector<16xi32>
    %swap3A_894 = arith.constant 832 : index
    %swap3A_895 = tpu.vector_load %arg5[%swap3A_894] {strides = array<i32>} : memref<1600xi32, #tpu.memory_space<vmem>>, vector<16xi32>,
    %swap3A_896 = vector.shape_cast %swap3A_895 : vector<16xi32> to vector<16xi32>
    %swap3A_897 = vector.shape_cast %or3A_893 : vector<16xi32> to vector<16xi32>
    tpu.vector_store %arg5[%swap3A_894], %swap3A_897 {strides = array<i32>} : memref<1600xi32, #tpu.memory_space<vmem>>, vector<16xi32>,
    %get3A_898 = arith.constant 848 : index
    %get3A_899 = tpu.vector_load %arg5[%get3A_898] {strides = array<i32>} : memref<1600xi32, #tpu.memory_space<vmem>>, vector<16xi32>,
    %get3A_900 = vector.shape_cast %get3A_899 : vector<16xi32> to vector<16xi32>
    %shift_right_logical3A_901 = arith.constant 13 : i32
    %shift_right_logical3A_902 = vector.broadcast %shift_right_logical3A_901 : i32 to vector<16xi32>
    %shift_right_logical3A_903 = arith.shrui %get3A_900, %shift_right_logical3A_902 : vector<16xi32>
    %shift_left3A_904 = arith.constant 12 : i32
    %shift_left3A_905 = vector.broadcast %shift_left3A_904 : i32 to vector<16xi32>
    %shift_left3A_906 = arith.shli %shift_right_logical3A_903, %shift_left3A_905 : vector<16xi32>
    %and3A_907 = arith.constant 4095 : i32
    %and3A_908 = vector.broadcast %and3A_907 : i32 to vector<16xi32>
    %and3A_909 = arith.andi %get3A_900, %and3A_908 : vector<16xi32>
    %or3A_910 = arith.ori %shift_left3A_906, %and3A_909 : vector<16xi32>
    %swap3A_911 = arith.constant 848 : index
    %swap3A_912 = tpu.vector_load %arg5[%swap3A_911] {strides = array<i32>} : memref<1600xi32, #tpu.memory_space<vmem>>, vector<16xi32>,
    %swap3A_913 = vector.shape_cast %swap3A_912 : vector<16xi32> to vector<16xi32>
    %swap3A_914 = vector.shape_cast %or3A_910 : vector<16xi32> to vector<16xi32>
    tpu.vector_store %arg5[%swap3A_911], %swap3A_914 {strides = array<i32>} : memref<1600xi32, #tpu.memory_space<vmem>>, vector<16xi32>,
    %get3A_915 = arith.constant 864 : index
    %get3A_916 = tpu.vector_load %arg5[%get3A_915] {strides = array<i32>} : memref<1600xi32, #tpu.memory_space<vmem>>, vector<16xi32>,
    %get3A_917 = vector.shape_cast %get3A_916 : vector<16xi32> to vector<16xi32>
    %shift_right_logical3A_918 = arith.constant 13 : i32
    %shift_right_logical3A_919 = vector.broadcast %shift_right_logical3A_918 : i32 to vector<16xi32>
    %shift_right_logical3A_920 = arith.shrui %get3A_917, %shift_right_logical3A_919 : vector<16xi32>
    %shift_left3A_921 = arith.constant 12 : i32
    %shift_left3A_922 = vector.broadcast %shift_left3A_921 : i32 to vector<16xi32>
    %shift_left3A_923 = arith.shli %shift_right_logical3A_920, %shift_left3A_922 : vector<16xi32>
    %and3A_924 = arith.constant 4095 : i32
    %and3A_925 = vector.broadcast %and3A_924 : i32 to vector<16xi32>
    %and3A_926 = arith.andi %get3A_917, %and3A_925 : vector<16xi32>
    %or3A_927 = arith.ori %shift_left3A_923, %and3A_926 : vector<16xi32>
    %swap3A_928 = arith.constant 864 : index
    %swap3A_929 = tpu.vector_load %arg5[%swap3A_928] {strides = array<i32>} : memref<1600xi32, #tpu.memory_space<vmem>>, vector<16xi32>,
    %swap3A_930 = vector.shape_cast %swap3A_929 : vector<16xi32> to vector<16xi32>
    %swap3A_931 = vector.shape_cast %or3A_927 : vector<16xi32> to vector<16xi32>
    tpu.vector_store %arg5[%swap3A_928], %swap3A_931 {strides = array<i32>} : memref<1600xi32, #tpu.memory_space<vmem>>, vector<16xi32>,
    %get3A_932 = arith.constant 880 : index
    %get3A_933 = tpu.vector_load %arg5[%get3A_932] {strides = array<i32>} : memref<1600xi32, #tpu.memory_space<vmem>>, vector<16xi32>,
    %get3A_934 = vector.shape_cast %get3A_933 : vector<16xi32> to vector<16xi32>
    %shift_right_logical3A_935 = arith.constant 13 : i32
    %shift_right_logical3A_936 = vector.broadcast %shift_right_logical3A_935 : i32 to vector<16xi32>
    %shift_right_logical3A_937 = arith.shrui %get3A_934, %shift_right_logical3A_936 : vector<16xi32>
    %shift_left3A_938 = arith.constant 12 : i32
    %shift_left3A_939 = vector.broadcast %shift_left3A_938 : i32 to vector<16xi32>
    %shift_left3A_940 = arith.shli %shift_right_logical3A_937, %shift_left3A_939 : vector<16xi32>
    %and3A_941 = arith.constant 4095 : i32
    %and3A_942 = vector.broadcast %and3A_941 : i32 to vector<16xi32>
    %and3A_943 = arith.andi %get3A_934, %and3A_942 : vector<16xi32>
    %or3A_944 = arith.ori %shift_left3A_940, %and3A_943 : vector<16xi32>
    %swap3A_945 = arith.constant 880 : index
    %swap3A_946 = tpu.vector_load %arg5[%swap3A_945] {strides = array<i32>} : memref<1600xi32, #tpu.memory_space<vmem>>, vector<16xi32>,
    %swap3A_947 = vector.shape_cast %swap3A_946 : vector<16xi32> to vector<16xi32>
    %swap3A_948 = vector.shape_cast %or3A_944 : vector<16xi32> to vector<16xi32>
    tpu.vector_store %arg5[%swap3A_945], %swap3A_948 {strides = array<i32>} : memref<1600xi32, #tpu.memory_space<vmem>>, vector<16xi32>,
    %get3A_949 = arith.constant 896 : index
    %get3A_950 = tpu.vector_load %arg5[%get3A_949] {strides = array<i32>} : memref<1600xi32, #tpu.memory_space<vmem>>, vector<16xi32>,
    %get3A_951 = vector.shape_cast %get3A_950 : vector<16xi32> to vector<16xi32>
    %shift_right_logical3A_952 = arith.constant 13 : i32
    %shift_right_logical3A_953 = vector.broadcast %shift_right_logical3A_952 : i32 to vector<16xi32>
    %shift_right_logical3A_954 = arith.shrui %get3A_951, %shift_right_logical3A_953 : vector<16xi32>
    %shift_left3A_955 = arith.constant 12 : i32
    %shift_left3A_956 = vector.broadcast %shift_left3A_955 : i32 to vector<16xi32>
    %shift_left3A_957 = arith.shli %shift_right_logical3A_954, %shift_left3A_956 : vector<16xi32>
    %and3A_958 = arith.constant 4095 : i32
    %and3A_959 = vector.broadcast %and3A_958 : i32 to vector<16xi32>
    %and3A_960 = arith.andi %get3A_951, %and3A_959 : vector<16xi32>
    %or3A_961 = arith.ori %shift_left3A_957, %and3A_960 : vector<16xi32>
    %swap3A_962 = arith.constant 896 : index
    %swap3A_963 = tpu.vector_load %arg5[%swap3A_962] {strides = array<i32>} : memref<1600xi32, #tpu.memory_space<vmem>>, vector<16xi32>,
    %swap3A_964 = vector.shape_cast %swap3A_963 : vector<16xi32> to vector<16xi32>
    %swap3A_965 = vector.shape_cast %or3A_961 : vector<16xi32> to vector<16xi32>
    tpu.vector_store %arg5[%swap3A_962], %swap3A_965 {strides = array<i32>} : memref<1600xi32, #tpu.memory_space<vmem>>, vector<16xi32>,
    %get3A_966 = arith.constant 912 : index
    %get3A_967 = tpu.vector_load %arg5[%get3A_966] {strides = array<i32>} : memref<1600xi32, #tpu.memory_space<vmem>>, vector<16xi32>,
    %get3A_968 = vector.shape_cast %get3A_967 : vector<16xi32> to vector<16xi32>
    %shift_right_logical3A_969 = arith.constant 13 : i32
    %shift_right_logical3A_970 = vector.broadcast %shift_right_logical3A_969 : i32 to vector<16xi32>
    %shift_right_logical3A_971 = arith.shrui %get3A_968, %shift_right_logical3A_970 : vector<16xi32>
    %shift_left3A_972 = arith.constant 12 : i32
    %shift_left3A_973 = vector.broadcast %shift_left3A_972 : i32 to vector<16xi32>
    %shift_left3A_974 = arith.shli %shift_right_logical3A_971, %shift_left3A_973 : vector<16xi32>
    %and3A_975 = arith.constant 4095 : i32
    %and3A_976 = vector.broadcast %and3A_975 : i32 to vector<16xi32>
    %and3A_977 = arith.andi %get3A_968, %and3A_976 : vector<16xi32>
    %or3A_978 = arith.ori %shift_left3A_974, %and3A_977 : vector<16xi32>
    %swap3A_979 = arith.constant 912 : index
    %swap3A_980 = tpu.vector_load %arg5[%swap3A_979] {strides = array<i32>} : memref<1600xi32, #tpu.memory_space<vmem>>, vector<16xi32>,
    %swap3A_981 = vector.shape_cast %swap3A_980 : vector<16xi32> to vector<16xi32>
    %swap3A_982 = vector.shape_cast %or3A_978 : vector<16xi32> to vector<16xi32>
    tpu.vector_store %arg5[%swap3A_979], %swap3A_982 {strides = array<i32>} : memref<1600xi32, #tpu.memory_space<vmem>>, vector<16xi32>,
    %get3A_983 = arith.constant 928 : index
    %get3A_984 = tpu.vector_load %arg5[%get3A_983] {strides = array<i32>} : memref<1600xi32, #tpu.memory_space<vmem>>, vector<16xi32>,
    %get3A_985 = vector.shape_cast %get3A_984 : vector<16xi32> to vector<16xi32>
    %shift_right_logical3A_986 = arith.constant 13 : i32
    %shift_right_logical3A_987 = vector.broadcast %shift_right_logical3A_986 : i32 to vector<16xi32>
    %shift_right_logical3A_988 = arith.shrui %get3A_985, %shift_right_logical3A_987 : vector<16xi32>
    %shift_left3A_989 = arith.constant 12 : i32
    %shift_left3A_990 = vector.broadcast %shift_left3A_989 : i32 to vector<16xi32>
    %shift_left3A_991 = arith.shli %shift_right_logical3A_988, %shift_left3A_990 : vector<16xi32>
    %and3A_992 = arith.constant 4095 : i32
    %and3A_993 = vector.broadcast %and3A_992 : i32 to vector<16xi32>
    %and3A_994 = arith.andi %get3A_985, %and3A_993 : vector<16xi32>
    %or3A_995 = arith.ori %shift_left3A_991, %and3A_994 : vector<16xi32>
    %swap3A_996 = arith.constant 928 : index
    %swap3A_997 = tpu.vector_load %arg5[%swap3A_996] {strides = array<i32>} : memref<1600xi32, #tpu.memory_space<vmem>>, vector<16xi32>,
    %swap3A_998 = vector.shape_cast %swap3A_997 : vector<16xi32> to vector<16xi32>
    %swap3A_999 = vector.shape_cast %or3A_995 : vector<16xi32> to vector<16xi32>
    tpu.vector_store %arg5[%swap3A_996], %swap3A_999 {strides = array<i32>} : memref<1600xi32, #tpu.memory_space<vmem>>, vector<16xi32>,
    %get3A_1000 = arith.constant 944 : index
    %get3A_1001 = tpu.vector_load %arg5[%get3A_1000] {strides = array<i32>} : memref<1600xi32, #tpu.memory_space<vmem>>, vector<16xi32>,
    %get3A_1002 = vector.shape_cast %get3A_1001 : vector<16xi32> to vector<16xi32>
    %shift_right_logical3A_1003 = arith.constant 13 : i32
    %shift_right_logical3A_1004 = vector.broadcast %shift_right_logical3A_1003 : i32 to vector<16xi32>
    %shift_right_logical3A_1005 = arith.shrui %get3A_1002, %shift_right_logical3A_1004 : vector<16xi32>
    %shift_left3A_1006 = arith.constant 12 : i32
    %shift_left3A_1007 = vector.broadcast %shift_left3A_1006 : i32 to vector<16xi32>
    %shift_left3A_1008 = arith.shli %shift_right_logical3A_1005, %shift_left3A_1007 : vector<16xi32>
    %and3A_1009 = arith.constant 4095 : i32
    %and3A_1010 = vector.broadcast %and3A_1009 : i32 to vector<16xi32>
    %and3A_1011 = arith.andi %get3A_1002, %and3A_1010 : vector<16xi32>
    %or3A_1012 = arith.ori %shift_left3A_1008, %and3A_1011 : vector<16xi32>
    %swap3A_1013 = arith.constant 944 : index
    %swap3A_1014 = tpu.vector_load %arg5[%swap3A_1013] {strides = array<i32>} : memref<1600xi32, #tpu.memory_space<vmem>>, vector<16xi32>,
    %swap3A_1015 = vector.shape_cast %swap3A_1014 : vector<16xi32> to vector<16xi32>
    %swap3A_1016 = vector.shape_cast %or3A_1012 : vector<16xi32> to vector<16xi32>
    tpu.vector_store %arg5[%swap3A_1013], %swap3A_1016 {strides = array<i32>} : memref<1600xi32, #tpu.memory_space<vmem>>, vector<16xi32>,
    %get3A_1017 = arith.constant 960 : index
    %get3A_1018 = tpu.vector_load %arg5[%get3A_1017] {strides = array<i32>} : memref<1600xi32, #tpu.memory_space<vmem>>, vector<16xi32>,
    %get3A_1019 = vector.shape_cast %get3A_1018 : vector<16xi32> to vector<16xi32>
    %shift_right_logical3A_1020 = arith.constant 13 : i32
    %shift_right_logical3A_1021 = vector.broadcast %shift_right_logical3A_1020 : i32 to vector<16xi32>
    %shift_right_logical3A_1022 = arith.shrui %get3A_1019, %shift_right_logical3A_1021 : vector<16xi32>
    %shift_left3A_1023 = arith.constant 12 : i32
    %shift_left3A_1024 = vector.broadcast %shift_left3A_1023 : i32 to vector<16xi32>
    %shift_left3A_1025 = arith.shli %shift_right_logical3A_1022, %shift_left3A_1024 : vector<16xi32>
    %and3A_1026 = arith.constant 4095 : i32
    %and3A_1027 = vector.broadcast %and3A_1026 : i32 to vector<16xi32>
    %and3A_1028 = arith.andi %get3A_1019, %and3A_1027 : vector<16xi32>
    %or3A_1029 = arith.ori %shift_left3A_1025, %and3A_1028 : vector<16xi32>
    %swap3A_1030 = arith.constant 960 : index
    %swap3A_1031 = tpu.vector_load %arg5[%swap3A_1030] {strides = array<i32>} : memref<1600xi32, #tpu.memory_space<vmem>>, vector<16xi32>,
    %swap3A_1032 = vector.shape_cast %swap3A_1031 : vector<16xi32> to vector<16xi32>
    %swap3A_1033 = vector.shape_cast %or3A_1029 : vector<16xi32> to vector<16xi32>
    tpu.vector_store %arg5[%swap3A_1030], %swap3A_1033 {strides = array<i32>} : memref<1600xi32, #tpu.memory_space<vmem>>, vector<16xi32>,
    %get3A_1034 = arith.constant 976 : index
    %get3A_1035 = tpu.vector_load %arg5[%get3A_1034] {strides = array<i32>} : memref<1600xi32, #tpu.memory_space<vmem>>, vector<16xi32>,
    %get3A_1036 = vector.shape_cast %get3A_1035 : vector<16xi32> to vector<16xi32>
    %shift_right_logical3A_1037 = arith.constant 13 : i32
    %shift_right_logical3A_1038 = vector.broadcast %shift_right_logical3A_1037 : i32 to vector<16xi32>
    %shift_right_logical3A_1039 = arith.shrui %get3A_1036, %shift_right_logical3A_1038 : vector<16xi32>
    %shift_left3A_1040 = arith.constant 12 : i32
    %shift_left3A_1041 = vector.broadcast %shift_left3A_1040 : i32 to vector<16xi32>
    %shift_left3A_1042 = arith.shli %shift_right_logical3A_1039, %shift_left3A_1041 : vector<16xi32>
    %and3A_1043 = arith.constant 4095 : i32
    %and3A_1044 = vector.broadcast %and3A_1043 : i32 to vector<16xi32>
    %and3A_1045 = arith.andi %get3A_1036, %and3A_1044 : vector<16xi32>
    %or3A_1046 = arith.ori %shift_left3A_1042, %and3A_1045 : vector<16xi32>
    %swap3A_1047 = arith.constant 976 : index
    %swap3A_1048 = tpu.vector_load %arg5[%swap3A_1047] {strides = array<i32>} : memref<1600xi32, #tpu.memory_space<vmem>>, vector<16xi32>,
    %swap3A_1049 = vector.shape_cast %swap3A_1048 : vector<16xi32> to vector<16xi32>
    %swap3A_1050 = vector.shape_cast %or3A_1046 : vector<16xi32> to vector<16xi32>
    tpu.vector_store %arg5[%swap3A_1047], %swap3A_1050 {strides = array<i32>} : memref<1600xi32, #tpu.memory_space<vmem>>, vector<16xi32>,
    %get3A_1051 = arith.constant 992 : index
    %get3A_1052 = tpu.vector_load %arg5[%get3A_1051] {strides = array<i32>} : memref<1600xi32, #tpu.memory_space<vmem>>, vector<16xi32>,
    %get3A_1053 = vector.shape_cast %get3A_1052 : vector<16xi32> to vector<16xi32>
    %shift_right_logical3A_1054 = arith.constant 13 : i32
    %shift_right_logical3A_1055 = vector.broadcast %shift_right_logical3A_1054 : i32 to vector<16xi32>
    %shift_right_logical3A_1056 = arith.shrui %get3A_1053, %shift_right_logical3A_1055 : vector<16xi32>
    %shift_left3A_1057 = arith.constant 12 : i32
    %shift_left3A_1058 = vector.broadcast %shift_left3A_1057 : i32 to vector<16xi32>
    %shift_left3A_1059 = arith.shli %shift_right_logical3A_1056, %shift_left3A_1058 : vector<16xi32>
    %and3A_1060 = arith.constant 4095 : i32
    %and3A_1061 = vector.broadcast %and3A_1060 : i32 to vector<16xi32>
    %and3A_1062 = arith.andi %get3A_1053, %and3A_1061 : vector<16xi32>
    %or3A_1063 = arith.ori %shift_left3A_1059, %and3A_1062 : vector<16xi32>
    %swap3A_1064 = arith.constant 992 : index
    %swap3A_1065 = tpu.vector_load %arg5[%swap3A_1064] {strides = array<i32>} : memref<1600xi32, #tpu.memory_space<vmem>>, vector<16xi32>,
    %swap3A_1066 = vector.shape_cast %swap3A_1065 : vector<16xi32> to vector<16xi32>
    %swap3A_1067 = vector.shape_cast %or3A_1063 : vector<16xi32> to vector<16xi32>
    tpu.vector_store %arg5[%swap3A_1064], %swap3A_1067 {strides = array<i32>} : memref<1600xi32, #tpu.memory_space<vmem>>, vector<16xi32>,
    %get3A_1068 = arith.constant 1008 : index
    %get3A_1069 = tpu.vector_load %arg5[%get3A_1068] {strides = array<i32>} : memref<1600xi32, #tpu.memory_space<vmem>>, vector<16xi32>,
    %get3A_1070 = vector.shape_cast %get3A_1069 : vector<16xi32> to vector<16xi32>
    %shift_right_logical3A_1071 = arith.constant 13 : i32
    %shift_right_logical3A_1072 = vector.broadcast %shift_right_logical3A_1071 : i32 to vector<16xi32>
    %shift_right_logical3A_1073 = arith.shrui %get3A_1070, %shift_right_logical3A_1072 : vector<16xi32>
    %shift_left3A_1074 = arith.constant 12 : i32
    %shift_left3A_1075 = vector.broadcast %shift_left3A_1074 : i32 to vector<16xi32>
    %shift_left3A_1076 = arith.shli %shift_right_logical3A_1073, %shift_left3A_1075 : vector<16xi32>
    %and3A_1077 = arith.constant 4095 : i32
    %and3A_1078 = vector.broadcast %and3A_1077 : i32 to vector<16xi32>
    %and3A_1079 = arith.andi %get3A_1070, %and3A_1078 : vector<16xi32>
    %or3A_1080 = arith.ori %shift_left3A_1076, %and3A_1079 : vector<16xi32>
    %swap3A_1081 = arith.constant 1008 : index
    %swap3A_1082 = tpu.vector_load %arg5[%swap3A_1081] {strides = array<i32>} : memref<1600xi32, #tpu.memory_space<vmem>>, vector<16xi32>,
    %swap3A_1083 = vector.shape_cast %swap3A_1082 : vector<16xi32> to vector<16xi32>
    %swap3A_1084 = vector.shape_cast %or3A_1080 : vector<16xi32> to vector<16xi32>
    tpu.vector_store %arg5[%swap3A_1081], %swap3A_1084 {strides = array<i32>} : memref<1600xi32, #tpu.memory_space<vmem>>, vector<16xi32>,
    %get3A_1085 = arith.constant 1024 : index
    %get3A_1086 = tpu.vector_load %arg5[%get3A_1085] {strides = array<i32>} : memref<1600xi32, #tpu.memory_space<vmem>>, vector<16xi32>,
    %get3A_1087 = vector.shape_cast %get3A_1086 : vector<16xi32> to vector<16xi32>
    %shift_right_logical3A_1088 = arith.constant 13 : i32
    %shift_right_logical3A_1089 = vector.broadcast %shift_right_logical3A_1088 : i32 to vector<16xi32>
    %shift_right_logical3A_1090 = arith.shrui %get3A_1087, %shift_right_logical3A_1089 : vector<16xi32>
    %shift_left3A_1091 = arith.constant 12 : i32
    %shift_left3A_1092 = vector.broadcast %shift_left3A_1091 : i32 to vector<16xi32>
    %shift_left3A_1093 = arith.shli %shift_right_logical3A_1090, %shift_left3A_1092 : vector<16xi32>
    %and3A_1094 = arith.constant 4095 : i32
    %and3A_1095 = vector.broadcast %and3A_1094 : i32 to vector<16xi32>
    %and3A_1096 = arith.andi %get3A_1087, %and3A_1095 : vector<16xi32>
    %or3A_1097 = arith.ori %shift_left3A_1093, %and3A_1096 : vector<16xi32>
    %swap3A_1098 = arith.constant 1024 : index
    %swap3A_1099 = tpu.vector_load %arg5[%swap3A_1098] {strides = array<i32>} : memref<1600xi32, #tpu.memory_space<vmem>>, vector<16xi32>,
    %swap3A_1100 = vector.shape_cast %swap3A_1099 : vector<16xi32> to vector<16xi32>
    %swap3A_1101 = vector.shape_cast %or3A_1097 : vector<16xi32> to vector<16xi32>
    tpu.vector_store %arg5[%swap3A_1098], %swap3A_1101 {strides = array<i32>} : memref<1600xi32, #tpu.memory_space<vmem>>, vector<16xi32>,
    %get3A_1102 = arith.constant 1040 : index
    %get3A_1103 = tpu.vector_load %arg5[%get3A_1102] {strides = array<i32>} : memref<1600xi32, #tpu.memory_space<vmem>>, vector<16xi32>,
    %get3A_1104 = vector.shape_cast %get3A_1103 : vector<16xi32> to vector<16xi32>
    %shift_right_logical3A_1105 = arith.constant 13 : i32
    %shift_right_logical3A_1106 = vector.broadcast %shift_right_logical3A_1105 : i32 to vector<16xi32>
    %shift_right_logical3A_1107 = arith.shrui %get3A_1104, %shift_right_logical3A_1106 : vector<16xi32>
    %shift_left3A_1108 = arith.constant 12 : i32
    %shift_left3A_1109 = vector.broadcast %shift_left3A_1108 : i32 to vector<16xi32>
    %shift_left3A_1110 = arith.shli %shift_right_logical3A_1107, %shift_left3A_1109 : vector<16xi32>
    %and3A_1111 = arith.constant 4095 : i32
    %and3A_1112 = vector.broadcast %and3A_1111 : i32 to vector<16xi32>
    %and3A_1113 = arith.andi %get3A_1104, %and3A_1112 : vector<16xi32>
    %or3A_1114 = arith.ori %shift_left3A_1110, %and3A_1113 : vector<16xi32>
    %swap3A_1115 = arith.constant 1040 : index
    %swap3A_1116 = tpu.vector_load %arg5[%swap3A_1115] {strides = array<i32>} : memref<1600xi32, #tpu.memory_space<vmem>>, vector<16xi32>,
    %swap3A_1117 = vector.shape_cast %swap3A_1116 : vector<16xi32> to vector<16xi32>
    %swap3A_1118 = vector.shape_cast %or3A_1114 : vector<16xi32> to vector<16xi32>
    tpu.vector_store %arg5[%swap3A_1115], %swap3A_1118 {strides = array<i32>} : memref<1600xi32, #tpu.memory_space<vmem>>, vector<16xi32>,
    %get3A_1119 = arith.constant 1056 : index
    %get3A_1120 = tpu.vector_load %arg5[%get3A_1119] {strides = array<i32>} : memref<1600xi32, #tpu.memory_space<vmem>>, vector<16xi32>,
    %get3A_1121 = vector.shape_cast %get3A_1120 : vector<16xi32> to vector<16xi32>
    %shift_right_logical3A_1122 = arith.constant 13 : i32
    %shift_right_logical3A_1123 = vector.broadcast %shift_right_logical3A_1122 : i32 to vector<16xi32>
    %shift_right_logical3A_1124 = arith.shrui %get3A_1121, %shift_right_logical3A_1123 : vector<16xi32>
    %shift_left3A_1125 = arith.constant 12 : i32
    %shift_left3A_1126 = vector.broadcast %shift_left3A_1125 : i32 to vector<16xi32>
    %shift_left3A_1127 = arith.shli %shift_right_logical3A_1124, %shift_left3A_1126 : vector<16xi32>
    %and3A_1128 = arith.constant 4095 : i32
    %and3A_1129 = vector.broadcast %and3A_1128 : i32 to vector<16xi32>
    %and3A_1130 = arith.andi %get3A_1121, %and3A_1129 : vector<16xi32>
    %or3A_1131 = arith.ori %shift_left3A_1127, %and3A_1130 : vector<16xi32>
    %swap3A_1132 = arith.constant 1056 : index
    %swap3A_1133 = tpu.vector_load %arg5[%swap3A_1132] {strides = array<i32>} : memref<1600xi32, #tpu.memory_space<vmem>>, vector<16xi32>,
    %swap3A_1134 = vector.shape_cast %swap3A_1133 : vector<16xi32> to vector<16xi32>
    %swap3A_1135 = vector.shape_cast %or3A_1131 : vector<16xi32> to vector<16xi32>
    tpu.vector_store %arg5[%swap3A_1132], %swap3A_1135 {strides = array<i32>} : memref<1600xi32, #tpu.memory_space<vmem>>, vector<16xi32>,
    %get3A_1136 = arith.constant 1072 : index
    %get3A_1137 = tpu.vector_load %arg5[%get3A_1136] {strides = array<i32>} : memref<1600xi32, #tpu.memory_space<vmem>>, vector<16xi32>,
    %get3A_1138 = vector.shape_cast %get3A_1137 : vector<16xi32> to vector<16xi32>
    %shift_right_logical3A_1139 = arith.constant 13 : i32
    %shift_right_logical3A_1140 = vector.broadcast %shift_right_logical3A_1139 : i32 to vector<16xi32>
    %shift_right_logical3A_1141 = arith.shrui %get3A_1138, %shift_right_logical3A_1140 : vector<16xi32>
    %shift_left3A_1142 = arith.constant 12 : i32
    %shift_left3A_1143 = vector.broadcast %shift_left3A_1142 : i32 to vector<16xi32>
    %shift_left3A_1144 = arith.shli %shift_right_logical3A_1141, %shift_left3A_1143 : vector<16xi32>
    %and3A_1145 = arith.constant 4095 : i32
    %and3A_1146 = vector.broadcast %and3A_1145 : i32 to vector<16xi32>
    %and3A_1147 = arith.andi %get3A_1138, %and3A_1146 : vector<16xi32>
    %or3A_1148 = arith.ori %shift_left3A_1144, %and3A_1147 : vector<16xi32>
    %swap3A_1149 = arith.constant 1072 : index
    %swap3A_1150 = tpu.vector_load %arg5[%swap3A_1149] {strides = array<i32>} : memref<1600xi32, #tpu.memory_space<vmem>>, vector<16xi32>,
    %swap3A_1151 = vector.shape_cast %swap3A_1150 : vector<16xi32> to vector<16xi32>
    %swap3A_1152 = vector.shape_cast %or3A_1148 : vector<16xi32> to vector<16xi32>
    tpu.vector_store %arg5[%swap3A_1149], %swap3A_1152 {strides = array<i32>} : memref<1600xi32, #tpu.memory_space<vmem>>, vector<16xi32>,
    %get3A_1153 = arith.constant 1088 : index
    %get3A_1154 = tpu.vector_load %arg5[%get3A_1153] {strides = array<i32>} : memref<1600xi32, #tpu.memory_space<vmem>>, vector<16xi32>,
    %get3A_1155 = vector.shape_cast %get3A_1154 : vector<16xi32> to vector<16xi32>
    %shift_right_logical3A_1156 = arith.constant 13 : i32
    %shift_right_logical3A_1157 = vector.broadcast %shift_right_logical3A_1156 : i32 to vector<16xi32>
    %shift_right_logical3A_1158 = arith.shrui %get3A_1155, %shift_right_logical3A_1157 : vector<16xi32>
    %shift_left3A_1159 = arith.constant 12 : i32
    %shift_left3A_1160 = vector.broadcast %shift_left3A_1159 : i32 to vector<16xi32>
    %shift_left3A_1161 = arith.shli %shift_right_logical3A_1158, %shift_left3A_1160 : vector<16xi32>
    %and3A_1162 = arith.constant 4095 : i32
    %and3A_1163 = vector.broadcast %and3A_1162 : i32 to vector<16xi32>
    %and3A_1164 = arith.andi %get3A_1155, %and3A_1163 : vector<16xi32>
    %or3A_1165 = arith.ori %shift_left3A_1161, %and3A_1164 : vector<16xi32>
    %swap3A_1166 = arith.constant 1088 : index
    %swap3A_1167 = tpu.vector_load %arg5[%swap3A_1166] {strides = array<i32>} : memref<1600xi32, #tpu.memory_space<vmem>>, vector<16xi32>,
    %swap3A_1168 = vector.shape_cast %swap3A_1167 : vector<16xi32> to vector<16xi32>
    %swap3A_1169 = vector.shape_cast %or3A_1165 : vector<16xi32> to vector<16xi32>
    tpu.vector_store %arg5[%swap3A_1166], %swap3A_1169 {strides = array<i32>} : memref<1600xi32, #tpu.memory_space<vmem>>, vector<16xi32>,
    %get3A_1170 = arith.constant 1104 : index
    %get3A_1171 = tpu.vector_load %arg5[%get3A_1170] {strides = array<i32>} : memref<1600xi32, #tpu.memory_space<vmem>>, vector<16xi32>,
    %get3A_1172 = vector.shape_cast %get3A_1171 : vector<16xi32> to vector<16xi32>
    %shift_right_logical3A_1173 = arith.constant 13 : i32
    %shift_right_logical3A_1174 = vector.broadcast %shift_right_logical3A_1173 : i32 to vector<16xi32>
    %shift_right_logical3A_1175 = arith.shrui %get3A_1172, %shift_right_logical3A_1174 : vector<16xi32>
    %shift_left3A_1176 = arith.constant 12 : i32
    %shift_left3A_1177 = vector.broadcast %shift_left3A_1176 : i32 to vector<16xi32>
    %shift_left3A_1178 = arith.shli %shift_right_logical3A_1175, %shift_left3A_1177 : vector<16xi32>
    %and3A_1179 = arith.constant 4095 : i32
    %and3A_1180 = vector.broadcast %and3A_1179 : i32 to vector<16xi32>
    %and3A_1181 = arith.andi %get3A_1172, %and3A_1180 : vector<16xi32>
    %or3A_1182 = arith.ori %shift_left3A_1178, %and3A_1181 : vector<16xi32>
    %swap3A_1183 = arith.constant 1104 : index
    %swap3A_1184 = tpu.vector_load %arg5[%swap3A_1183] {strides = array<i32>} : memref<1600xi32, #tpu.memory_space<vmem>>, vector<16xi32>,
    %swap3A_1185 = vector.shape_cast %swap3A_1184 : vector<16xi32> to vector<16xi32>
    %swap3A_1186 = vector.shape_cast %or3A_1182 : vector<16xi32> to vector<16xi32>
    tpu.vector_store %arg5[%swap3A_1183], %swap3A_1186 {strides = array<i32>} : memref<1600xi32, #tpu.memory_space<vmem>>, vector<16xi32>,
    %get3A_1187 = arith.constant 1120 : index
    %get3A_1188 = tpu.vector_load %arg5[%get3A_1187] {strides = array<i32>} : memref<1600xi32, #tpu.memory_space<vmem>>, vector<16xi32>,
    %get3A_1189 = vector.shape_cast %get3A_1188 : vector<16xi32> to vector<16xi32>
    %shift_right_logical3A_1190 = arith.constant 13 : i32
    %shift_right_logical3A_1191 = vector.broadcast %shift_right_logical3A_1190 : i32 to vector<16xi32>
    %shift_right_logical3A_1192 = arith.shrui %get3A_1189, %shift_right_logical3A_1191 : vector<16xi32>
    %shift_left3A_1193 = arith.constant 12 : i32
    %shift_left3A_1194 = vector.broadcast %shift_left3A_1193 : i32 to vector<16xi32>
    %shift_left3A_1195 = arith.shli %shift_right_logical3A_1192, %shift_left3A_1194 : vector<16xi32>
    %and3A_1196 = arith.constant 4095 : i32
    %and3A_1197 = vector.broadcast %and3A_1196 : i32 to vector<16xi32>
    %and3A_1198 = arith.andi %get3A_1189, %and3A_1197 : vector<16xi32>
    %or3A_1199 = arith.ori %shift_left3A_1195, %and3A_1198 : vector<16xi32>
    %swap3A_1200 = arith.constant 1120 : index
    %swap3A_1201 = tpu.vector_load %arg5[%swap3A_1200] {strides = array<i32>} : memref<1600xi32, #tpu.memory_space<vmem>>, vector<16xi32>,
    %swap3A_1202 = vector.shape_cast %swap3A_1201 : vector<16xi32> to vector<16xi32>
    %swap3A_1203 = vector.shape_cast %or3A_1199 : vector<16xi32> to vector<16xi32>
    tpu.vector_store %arg5[%swap3A_1200], %swap3A_1203 {strides = array<i32>} : memref<1600xi32, #tpu.memory_space<vmem>>, vector<16xi32>,
    %get3A_1204 = arith.constant 1136 : index
    %get3A_1205 = tpu.vector_load %arg5[%get3A_1204] {strides = array<i32>} : memref<1600xi32, #tpu.memory_space<vmem>>, vector<16xi32>,
    %get3A_1206 = vector.shape_cast %get3A_1205 : vector<16xi32> to vector<16xi32>
    %shift_right_logical3A_1207 = arith.constant 13 : i32
    %shift_right_logical3A_1208 = vector.broadcast %shift_right_logical3A_1207 : i32 to vector<16xi32>
    %shift_right_logical3A_1209 = arith.shrui %get3A_1206, %shift_right_logical3A_1208 : vector<16xi32>
    %shift_left3A_1210 = arith.constant 12 : i32
    %shift_left3A_1211 = vector.broadcast %shift_left3A_1210 : i32 to vector<16xi32>
    %shift_left3A_1212 = arith.shli %shift_right_logical3A_1209, %shift_left3A_1211 : vector<16xi32>
    %and3A_1213 = arith.constant 4095 : i32
    %and3A_1214 = vector.broadcast %and3A_1213 : i32 to vector<16xi32>
    %and3A_1215 = arith.andi %get3A_1206, %and3A_1214 : vector<16xi32>
    %or3A_1216 = arith.ori %shift_left3A_1212, %and3A_1215 : vector<16xi32>
    %swap3A_1217 = arith.constant 1136 : index
    %swap3A_1218 = tpu.vector_load %arg5[%swap3A_1217] {strides = array<i32>} : memref<1600xi32, #tpu.memory_space<vmem>>, vector<16xi32>,
    %swap3A_1219 = vector.shape_cast %swap3A_1218 : vector<16xi32> to vector<16xi32>
    %swap3A_1220 = vector.shape_cast %or3A_1216 : vector<16xi32> to vector<16xi32>
    tpu.vector_store %arg5[%swap3A_1217], %swap3A_1220 {strides = array<i32>} : memref<1600xi32, #tpu.memory_space<vmem>>, vector<16xi32>,
    %get3A_1221 = arith.constant 1152 : index
    %get3A_1222 = tpu.vector_load %arg5[%get3A_1221] {strides = array<i32>} : memref<1600xi32, #tpu.memory_space<vmem>>, vector<16xi32>,
    %get3A_1223 = vector.shape_cast %get3A_1222 : vector<16xi32> to vector<16xi32>
    %shift_right_logical3A_1224 = arith.constant 13 : i32
    %shift_right_logical3A_1225 = vector.broadcast %shift_right_logical3A_1224 : i32 to vector<16xi32>
    %shift_right_logical3A_1226 = arith.shrui %get3A_1223, %shift_right_logical3A_1225 : vector<16xi32>
    %shift_left3A_1227 = arith.constant 12 : i32
    %shift_left3A_1228 = vector.broadcast %shift_left3A_1227 : i32 to vector<16xi32>
    %shift_left3A_1229 = arith.shli %shift_right_logical3A_1226, %shift_left3A_1228 : vector<16xi32>
    %and3A_1230 = arith.constant 4095 : i32
    %and3A_1231 = vector.broadcast %and3A_1230 : i32 to vector<16xi32>
    %and3A_1232 = arith.andi %get3A_1223, %and3A_1231 : vector<16xi32>
    %or3A_1233 = arith.ori %shift_left3A_1229, %and3A_1232 : vector<16xi32>
    %swap3A_1234 = arith.constant 1152 : index
    %swap3A_1235 = tpu.vector_load %arg5[%swap3A_1234] {strides = array<i32>} : memref<1600xi32, #tpu.memory_space<vmem>>, vector<16xi32>,
    %swap3A_1236 = vector.shape_cast %swap3A_1235 : vector<16xi32> to vector<16xi32>
    %swap3A_1237 = vector.shape_cast %or3A_1233 : vector<16xi32> to vector<16xi32>
    tpu.vector_store %arg5[%swap3A_1234], %swap3A_1237 {strides = array<i32>} : memref<1600xi32, #tpu.memory_space<vmem>>, vector<16xi32>,
    %get3A_1238 = arith.constant 1168 : index
    %get3A_1239 = tpu.vector_load %arg5[%get3A_1238] {strides = array<i32>} : memref<1600xi32, #tpu.memory_space<vmem>>, vector<16xi32>,
    %get3A_1240 = vector.shape_cast %get3A_1239 : vector<16xi32> to vector<16xi32>
    %shift_right_logical3A_1241 = arith.constant 13 : i32
    %shift_right_logical3A_1242 = vector.broadcast %shift_right_logical3A_1241 : i32 to vector<16xi32>
    %shift_right_logical3A_1243 = arith.shrui %get3A_1240, %shift_right_logical3A_1242 : vector<16xi32>
    %shift_left3A_1244 = arith.constant 12 : i32
    %shift_left3A_1245 = vector.broadcast %shift_left3A_1244 : i32 to vector<16xi32>
    %shift_left3A_1246 = arith.shli %shift_right_logical3A_1243, %shift_left3A_1245 : vector<16xi32>
    %and3A_1247 = arith.constant 4095 : i32
    %and3A_1248 = vector.broadcast %and3A_1247 : i32 to vector<16xi32>
    %and3A_1249 = arith.andi %get3A_1240, %and3A_1248 : vector<16xi32>
    %or3A_1250 = arith.ori %shift_left3A_1246, %and3A_1249 : vector<16xi32>
    %swap3A_1251 = arith.constant 1168 : index
    %swap3A_1252 = tpu.vector_load %arg5[%swap3A_1251] {strides = array<i32>} : memref<1600xi32, #tpu.memory_space<vmem>>, vector<16xi32>,
    %swap3A_1253 = vector.shape_cast %swap3A_1252 : vector<16xi32> to vector<16xi32>
    %swap3A_1254 = vector.shape_cast %or3A_1250 : vector<16xi32> to vector<16xi32>
    tpu.vector_store %arg5[%swap3A_1251], %swap3A_1254 {strides = array<i32>} : memref<1600xi32, #tpu.memory_space<vmem>>, vector<16xi32>,
    %get3A_1255 = arith.constant 1184 : index
    %get3A_1256 = tpu.vector_load %arg5[%get3A_1255] {strides = array<i32>} : memref<1600xi32, #tpu.memory_space<vmem>>, vector<16xi32>,
    %get3A_1257 = vector.shape_cast %get3A_1256 : vector<16xi32> to vector<16xi32>
    %shift_right_logical3A_1258 = arith.constant 13 : i32
    %shift_right_logical3A_1259 = vector.broadcast %shift_right_logical3A_1258 : i32 to vector<16xi32>
    %shift_right_logical3A_1260 = arith.shrui %get3A_1257, %shift_right_logical3A_1259 : vector<16xi32>
    %shift_left3A_1261 = arith.constant 12 : i32
    %shift_left3A_1262 = vector.broadcast %shift_left3A_1261 : i32 to vector<16xi32>
    %shift_left3A_1263 = arith.shli %shift_right_logical3A_1260, %shift_left3A_1262 : vector<16xi32>
    %and3A_1264 = arith.constant 4095 : i32
    %and3A_1265 = vector.broadcast %and3A_1264 : i32 to vector<16xi32>
    %and3A_1266 = arith.andi %get3A_1257, %and3A_1265 : vector<16xi32>
    %or3A_1267 = arith.ori %shift_left3A_1263, %and3A_1266 : vector<16xi32>
    %swap3A_1268 = arith.constant 1184 : index
    %swap3A_1269 = tpu.vector_load %arg5[%swap3A_1268] {strides = array<i32>} : memref<1600xi32, #tpu.memory_space<vmem>>, vector<16xi32>,
    %swap3A_1270 = vector.shape_cast %swap3A_1269 : vector<16xi32> to vector<16xi32>
    %swap3A_1271 = vector.shape_cast %or3A_1267 : vector<16xi32> to vector<16xi32>
    tpu.vector_store %arg5[%swap3A_1268], %swap3A_1271 {strides = array<i32>} : memref<1600xi32, #tpu.memory_space<vmem>>, vector<16xi32>,
    %get3A_1272 = arith.constant 1200 : index
    %get3A_1273 = tpu.vector_load %arg5[%get3A_1272] {strides = array<i32>} : memref<1600xi32, #tpu.memory_space<vmem>>, vector<16xi32>,
    %get3A_1274 = vector.shape_cast %get3A_1273 : vector<16xi32> to vector<16xi32>
    %shift_right_logical3A_1275 = arith.constant 13 : i32
    %shift_right_logical3A_1276 = vector.broadcast %shift_right_logical3A_1275 : i32 to vector<16xi32>
    %shift_right_logical3A_1277 = arith.shrui %get3A_1274, %shift_right_logical3A_1276 : vector<16xi32>
    %shift_left3A_1278 = arith.constant 12 : i32
    %shift_left3A_1279 = vector.broadcast %shift_left3A_1278 : i32 to vector<16xi32>
    %shift_left3A_1280 = arith.shli %shift_right_logical3A_1277, %shift_left3A_1279 : vector<16xi32>
    %and3A_1281 = arith.constant 4095 : i32
    %and3A_1282 = vector.broadcast %and3A_1281 : i32 to vector<16xi32>
    %and3A_1283 = arith.andi %get3A_1274, %and3A_1282 : vector<16xi32>
    %or3A_1284 = arith.ori %shift_left3A_1280, %and3A_1283 : vector<16xi32>
    %swap3A_1285 = arith.constant 1200 : index
    %swap3A_1286 = tpu.vector_load %arg5[%swap3A_1285] {strides = array<i32>} : memref<1600xi32, #tpu.memory_space<vmem>>, vector<16xi32>,
    %swap3A_1287 = vector.shape_cast %swap3A_1286 : vector<16xi32> to vector<16xi32>
    %swap3A_1288 = vector.shape_cast %or3A_1284 : vector<16xi32> to vector<16xi32>
    tpu.vector_store %arg5[%swap3A_1285], %swap3A_1288 {strides = array<i32>} : memref<1600xi32, #tpu.memory_space<vmem>>, vector<16xi32>,
    %get3A_1289 = arith.constant 1216 : index
    %get3A_1290 = tpu.vector_load %arg5[%get3A_1289] {strides = array<i32>} : memref<1600xi32, #tpu.memory_space<vmem>>, vector<16xi32>,
    %get3A_1291 = vector.shape_cast %get3A_1290 : vector<16xi32> to vector<16xi32>
    %shift_right_logical3A_1292 = arith.constant 13 : i32
    %shift_right_logical3A_1293 = vector.broadcast %shift_right_logical3A_1292 : i32 to vector<16xi32>
    %shift_right_logical3A_1294 = arith.shrui %get3A_1291, %shift_right_logical3A_1293 : vector<16xi32>
    %shift_left3A_1295 = arith.constant 12 : i32
    %shift_left3A_1296 = vector.broadcast %shift_left3A_1295 : i32 to vector<16xi32>
    %shift_left3A_1297 = arith.shli %shift_right_logical3A_1294, %shift_left3A_1296 : vector<16xi32>
    %and3A_1298 = arith.constant 4095 : i32
    %and3A_1299 = vector.broadcast %and3A_1298 : i32 to vector<16xi32>
    %and3A_1300 = arith.andi %get3A_1291, %and3A_1299 : vector<16xi32>
    %or3A_1301 = arith.ori %shift_left3A_1297, %and3A_1300 : vector<16xi32>
    %swap3A_1302 = arith.constant 1216 : index
    %swap3A_1303 = tpu.vector_load %arg5[%swap3A_1302] {strides = array<i32>} : memref<1600xi32, #tpu.memory_space<vmem>>, vector<16xi32>,
    %swap3A_1304 = vector.shape_cast %swap3A_1303 : vector<16xi32> to vector<16xi32>
    %swap3A_1305 = vector.shape_cast %or3A_1301 : vector<16xi32> to vector<16xi32>
    tpu.vector_store %arg5[%swap3A_1302], %swap3A_1305 {strides = array<i32>} : memref<1600xi32, #tpu.memory_space<vmem>>, vector<16xi32>,
    %get3A_1306 = arith.constant 1232 : index
    %get3A_1307 = tpu.vector_load %arg5[%get3A_1306] {strides = array<i32>} : memref<1600xi32, #tpu.memory_space<vmem>>, vector<16xi32>,
    %get3A_1308 = vector.shape_cast %get3A_1307 : vector<16xi32> to vector<16xi32>
    %shift_right_logical3A_1309 = arith.constant 13 : i32
    %shift_right_logical3A_1310 = vector.broadcast %shift_right_logical3A_1309 : i32 to vector<16xi32>
    %shift_right_logical3A_1311 = arith.shrui %get3A_1308, %shift_right_logical3A_1310 : vector<16xi32>
    %shift_left3A_1312 = arith.constant 12 : i32
    %shift_left3A_1313 = vector.broadcast %shift_left3A_1312 : i32 to vector<16xi32>
    %shift_left3A_1314 = arith.shli %shift_right_logical3A_1311, %shift_left3A_1313 : vector<16xi32>
    %and3A_1315 = arith.constant 4095 : i32
    %and3A_1316 = vector.broadcast %and3A_1315 : i32 to vector<16xi32>
    %and3A_1317 = arith.andi %get3A_1308, %and3A_1316 : vector<16xi32>
    %or3A_1318 = arith.ori %shift_left3A_1314, %and3A_1317 : vector<16xi32>
    %swap3A_1319 = arith.constant 1232 : index
    %swap3A_1320 = tpu.vector_load %arg5[%swap3A_1319] {strides = array<i32>} : memref<1600xi32, #tpu.memory_space<vmem>>, vector<16xi32>,
    %swap3A_1321 = vector.shape_cast %swap3A_1320 : vector<16xi32> to vector<16xi32>
    %swap3A_1322 = vector.shape_cast %or3A_1318 : vector<16xi32> to vector<16xi32>
    tpu.vector_store %arg5[%swap3A_1319], %swap3A_1322 {strides = array<i32>} : memref<1600xi32, #tpu.memory_space<vmem>>, vector<16xi32>,
    %get3A_1323 = arith.constant 1248 : index
    %get3A_1324 = tpu.vector_load %arg5[%get3A_1323] {strides = array<i32>} : memref<1600xi32, #tpu.memory_space<vmem>>, vector<16xi32>,
    %get3A_1325 = vector.shape_cast %get3A_1324 : vector<16xi32> to vector<16xi32>
    %shift_right_logical3A_1326 = arith.constant 13 : i32
    %shift_right_logical3A_1327 = vector.broadcast %shift_right_logical3A_1326 : i32 to vector<16xi32>
    %shift_right_logical3A_1328 = arith.shrui %get3A_1325, %shift_right_logical3A_1327 : vector<16xi32>
    %shift_left3A_1329 = arith.constant 12 : i32
    %shift_left3A_1330 = vector.broadcast %shift_left3A_1329 : i32 to vector<16xi32>
    %shift_left3A_1331 = arith.shli %shift_right_logical3A_1328, %shift_left3A_1330 : vector<16xi32>
    %and3A_1332 = arith.constant 4095 : i32
    %and3A_1333 = vector.broadcast %and3A_1332 : i32 to vector<16xi32>
    %and3A_1334 = arith.andi %get3A_1325, %and3A_1333 : vector<16xi32>
    %or3A_1335 = arith.ori %shift_left3A_1331, %and3A_1334 : vector<16xi32>
    %swap3A_1336 = arith.constant 1248 : index
    %swap3A_1337 = tpu.vector_load %arg5[%swap3A_1336] {strides = array<i32>} : memref<1600xi32, #tpu.memory_space<vmem>>, vector<16xi32>,
    %swap3A_1338 = vector.shape_cast %swap3A_1337 : vector<16xi32> to vector<16xi32>
    %swap3A_1339 = vector.shape_cast %or3A_1335 : vector<16xi32> to vector<16xi32>
    tpu.vector_store %arg5[%swap3A_1336], %swap3A_1339 {strides = array<i32>} : memref<1600xi32, #tpu.memory_space<vmem>>, vector<16xi32>,
    %get3A_1340 = arith.constant 1264 : index
    %get3A_1341 = tpu.vector_load %arg5[%get3A_1340] {strides = array<i32>} : memref<1600xi32, #tpu.memory_space<vmem>>, vector<16xi32>,
    %get3A_1342 = vector.shape_cast %get3A_1341 : vector<16xi32> to vector<16xi32>
    %shift_right_logical3A_1343 = arith.constant 13 : i32
    %shift_right_logical3A_1344 = vector.broadcast %shift_right_logical3A_1343 : i32 to vector<16xi32>
    %shift_right_logical3A_1345 = arith.shrui %get3A_1342, %shift_right_logical3A_1344 : vector<16xi32>
    %shift_left3A_1346 = arith.constant 12 : i32
    %shift_left3A_1347 = vector.broadcast %shift_left3A_1346 : i32 to vector<16xi32>
    %shift_left3A_1348 = arith.shli %shift_right_logical3A_1345, %shift_left3A_1347 : vector<16xi32>
    %and3A_1349 = arith.constant 4095 : i32
    %and3A_1350 = vector.broadcast %and3A_1349 : i32 to vector<16xi32>
    %and3A_1351 = arith.andi %get3A_1342, %and3A_1350 : vector<16xi32>
    %or3A_1352 = arith.ori %shift_left3A_1348, %and3A_1351 : vector<16xi32>
    %swap3A_1353 = arith.constant 1264 : index
    %swap3A_1354 = tpu.vector_load %arg5[%swap3A_1353] {strides = array<i32>} : memref<1600xi32, #tpu.memory_space<vmem>>, vector<16xi32>,
    %swap3A_1355 = vector.shape_cast %swap3A_1354 : vector<16xi32> to vector<16xi32>
    %swap3A_1356 = vector.shape_cast %or3A_1352 : vector<16xi32> to vector<16xi32>
    tpu.vector_store %arg5[%swap3A_1353], %swap3A_1356 {strides = array<i32>} : memref<1600xi32, #tpu.memory_space<vmem>>, vector<16xi32>,
    %get3A_1357 = arith.constant 1280 : index
    %get3A_1358 = tpu.vector_load %arg5[%get3A_1357] {strides = array<i32>} : memref<1600xi32, #tpu.memory_space<vmem>>, vector<16xi32>,
    %get3A_1359 = vector.shape_cast %get3A_1358 : vector<16xi32> to vector<16xi32>
    %shift_right_logical3A_1360 = arith.constant 13 : i32
    %shift_right_logical3A_1361 = vector.broadcast %shift_right_logical3A_1360 : i32 to vector<16xi32>
    %shift_right_logical3A_1362 = arith.shrui %get3A_1359, %shift_right_logical3A_1361 : vector<16xi32>
    %shift_left3A_1363 = arith.constant 12 : i32
    %shift_left3A_1364 = vector.broadcast %shift_left3A_1363 : i32 to vector<16xi32>
    %shift_left3A_1365 = arith.shli %shift_right_logical3A_1362, %shift_left3A_1364 : vector<16xi32>
    %and3A_1366 = arith.constant 4095 : i32
    %and3A_1367 = vector.broadcast %and3A_1366 : i32 to vector<16xi32>
    %and3A_1368 = arith.andi %get3A_1359, %and3A_1367 : vector<16xi32>
    %or3A_1369 = arith.ori %shift_left3A_1365, %and3A_1368 : vector<16xi32>
    %swap3A_1370 = arith.constant 1280 : index
    %swap3A_1371 = tpu.vector_load %arg5[%swap3A_1370] {strides = array<i32>} : memref<1600xi32, #tpu.memory_space<vmem>>, vector<16xi32>,
    %swap3A_1372 = vector.shape_cast %swap3A_1371 : vector<16xi32> to vector<16xi32>
    %swap3A_1373 = vector.shape_cast %or3A_1369 : vector<16xi32> to vector<16xi32>
    tpu.vector_store %arg5[%swap3A_1370], %swap3A_1373 {strides = array<i32>} : memref<1600xi32, #tpu.memory_space<vmem>>, vector<16xi32>,
    %get3A_1374 = arith.constant 1296 : index
    %get3A_1375 = tpu.vector_load %arg5[%get3A_1374] {strides = array<i32>} : memref<1600xi32, #tpu.memory_space<vmem>>, vector<16xi32>,
    %get3A_1376 = vector.shape_cast %get3A_1375 : vector<16xi32> to vector<16xi32>
    %shift_right_logical3A_1377 = arith.constant 13 : i32
    %shift_right_logical3A_1378 = vector.broadcast %shift_right_logical3A_1377 : i32 to vector<16xi32>
    %shift_right_logical3A_1379 = arith.shrui %get3A_1376, %shift_right_logical3A_1378 : vector<16xi32>
    %shift_left3A_1380 = arith.constant 12 : i32
    %shift_left3A_1381 = vector.broadcast %shift_left3A_1380 : i32 to vector<16xi32>
    %shift_left3A_1382 = arith.shli %shift_right_logical3A_1379, %shift_left3A_1381 : vector<16xi32>
    %and3A_1383 = arith.constant 4095 : i32
    %and3A_1384 = vector.broadcast %and3A_1383 : i32 to vector<16xi32>
    %and3A_1385 = arith.andi %get3A_1376, %and3A_1384 : vector<16xi32>
    %or3A_1386 = arith.ori %shift_left3A_1382, %and3A_1385 : vector<16xi32>
    %swap3A_1387 = arith.constant 1296 : index
    %swap3A_1388 = tpu.vector_load %arg5[%swap3A_1387] {strides = array<i32>} : memref<1600xi32, #tpu.memory_space<vmem>>, vector<16xi32>,
    %swap3A_1389 = vector.shape_cast %swap3A_1388 : vector<16xi32> to vector<16xi32>
    %swap3A_1390 = vector.shape_cast %or3A_1386 : vector<16xi32> to vector<16xi32>
    tpu.vector_store %arg5[%swap3A_1387], %swap3A_1390 {strides = array<i32>} : memref<1600xi32, #tpu.memory_space<vmem>>, vector<16xi32>,
    %get3A_1391 = arith.constant 1312 : index
    %get3A_1392 = tpu.vector_load %arg5[%get3A_1391] {strides = array<i32>} : memref<1600xi32, #tpu.memory_space<vmem>>, vector<16xi32>,
    %get3A_1393 = vector.shape_cast %get3A_1392 : vector<16xi32> to vector<16xi32>
    %shift_right_logical3A_1394 = arith.constant 13 : i32
    %shift_right_logical3A_1395 = vector.broadcast %shift_right_logical3A_1394 : i32 to vector<16xi32>
    %shift_right_logical3A_1396 = arith.shrui %get3A_1393, %shift_right_logical3A_1395 : vector<16xi32>
    %shift_left3A_1397 = arith.constant 12 : i32
    %shift_left3A_1398 = vector.broadcast %shift_left3A_1397 : i32 to vector<16xi32>
    %shift_left3A_1399 = arith.shli %shift_right_logical3A_1396, %shift_left3A_1398 : vector<16xi32>
    %and3A_1400 = arith.constant 4095 : i32
    %and3A_1401 = vector.broadcast %and3A_1400 : i32 to vector<16xi32>
    %and3A_1402 = arith.andi %get3A_1393, %and3A_1401 : vector<16xi32>
    %or3A_1403 = arith.ori %shift_left3A_1399, %and3A_1402 : vector<16xi32>
    %swap3A_1404 = arith.constant 1312 : index
    %swap3A_1405 = tpu.vector_load %arg5[%swap3A_1404] {strides = array<i32>} : memref<1600xi32, #tpu.memory_space<vmem>>, vector<16xi32>,
    %swap3A_1406 = vector.shape_cast %swap3A_1405 : vector<16xi32> to vector<16xi32>
    %swap3A_1407 = vector.shape_cast %or3A_1403 : vector<16xi32> to vector<16xi32>
    tpu.vector_store %arg5[%swap3A_1404], %swap3A_1407 {strides = array<i32>} : memref<1600xi32, #tpu.memory_space<vmem>>, vector<16xi32>,
    %get3A_1408 = arith.constant 1328 : index
    %get3A_1409 = tpu.vector_load %arg5[%get3A_1408] {strides = array<i32>} : memref<1600xi32, #tpu.memory_space<vmem>>, vector<16xi32>,
    %get3A_1410 = vector.shape_cast %get3A_1409 : vector<16xi32> to vector<16xi32>
    %shift_right_logical3A_1411 = arith.constant 13 : i32
    %shift_right_logical3A_1412 = vector.broadcast %shift_right_logical3A_1411 : i32 to vector<16xi32>
    %shift_right_logical3A_1413 = arith.shrui %get3A_1410, %shift_right_logical3A_1412 : vector<16xi32>
    %shift_left3A_1414 = arith.constant 12 : i32
    %shift_left3A_1415 = vector.broadcast %shift_left3A_1414 : i32 to vector<16xi32>
    %shift_left3A_1416 = arith.shli %shift_right_logical3A_1413, %shift_left3A_1415 : vector<16xi32>
    %and3A_1417 = arith.constant 4095 : i32
    %and3A_1418 = vector.broadcast %and3A_1417 : i32 to vector<16xi32>
    %and3A_1419 = arith.andi %get3A_1410, %and3A_1418 : vector<16xi32>
    %or3A_1420 = arith.ori %shift_left3A_1416, %and3A_1419 : vector<16xi32>
    %swap3A_1421 = arith.constant 1328 : index
    %swap3A_1422 = tpu.vector_load %arg5[%swap3A_1421] {strides = array<i32>} : memref<1600xi32, #tpu.memory_space<vmem>>, vector<16xi32>,
    %swap3A_1423 = vector.shape_cast %swap3A_1422 : vector<16xi32> to vector<16xi32>
    %swap3A_1424 = vector.shape_cast %or3A_1420 : vector<16xi32> to vector<16xi32>
    tpu.vector_store %arg5[%swap3A_1421], %swap3A_1424 {strides = array<i32>} : memref<1600xi32, #tpu.memory_space<vmem>>, vector<16xi32>,
    %get3A_1425 = arith.constant 1344 : index
    %get3A_1426 = tpu.vector_load %arg5[%get3A_1425] {strides = array<i32>} : memref<1600xi32, #tpu.memory_space<vmem>>, vector<16xi32>,
    %get3A_1427 = vector.shape_cast %get3A_1426 : vector<16xi32> to vector<16xi32>
    %shift_right_logical3A_1428 = arith.constant 13 : i32
    %shift_right_logical3A_1429 = vector.broadcast %shift_right_logical3A_1428 : i32 to vector<16xi32>
    %shift_right_logical3A_1430 = arith.shrui %get3A_1427, %shift_right_logical3A_1429 : vector<16xi32>
    %shift_left3A_1431 = arith.constant 12 : i32
    %shift_left3A_1432 = vector.broadcast %shift_left3A_1431 : i32 to vector<16xi32>
    %shift_left3A_1433 = arith.shli %shift_right_logical3A_1430, %shift_left3A_1432 : vector<16xi32>
    %and3A_1434 = arith.constant 4095 : i32
    %and3A_1435 = vector.broadcast %and3A_1434 : i32 to vector<16xi32>
    %and3A_1436 = arith.andi %get3A_1427, %and3A_1435 : vector<16xi32>
    %or3A_1437 = arith.ori %shift_left3A_1433, %and3A_1436 : vector<16xi32>
    %swap3A_1438 = arith.constant 1344 : index
    %swap3A_1439 = tpu.vector_load %arg5[%swap3A_1438] {strides = array<i32>} : memref<1600xi32, #tpu.memory_space<vmem>>, vector<16xi32>,
    %swap3A_1440 = vector.shape_cast %swap3A_1439 : vector<16xi32> to vector<16xi32>
    %swap3A_1441 = vector.shape_cast %or3A_1437 : vector<16xi32> to vector<16xi32>
    tpu.vector_store %arg5[%swap3A_1438], %swap3A_1441 {strides = array<i32>} : memref<1600xi32, #tpu.memory_space<vmem>>, vector<16xi32>,
    %get3A_1442 = arith.constant 1360 : index
    %get3A_1443 = tpu.vector_load %arg5[%get3A_1442] {strides = array<i32>} : memref<1600xi32, #tpu.memory_space<vmem>>, vector<16xi32>,
    %get3A_1444 = vector.shape_cast %get3A_1443 : vector<16xi32> to vector<16xi32>
    %shift_right_logical3A_1445 = arith.constant 13 : i32
    %shift_right_logical3A_1446 = vector.broadcast %shift_right_logical3A_1445 : i32 to vector<16xi32>
    %shift_right_logical3A_1447 = arith.shrui %get3A_1444, %shift_right_logical3A_1446 : vector<16xi32>
    %shift_left3A_1448 = arith.constant 12 : i32
    %shift_left3A_1449 = vector.broadcast %shift_left3A_1448 : i32 to vector<16xi32>
    %shift_left3A_1450 = arith.shli %shift_right_logical3A_1447, %shift_left3A_1449 : vector<16xi32>
    %and3A_1451 = arith.constant 4095 : i32
    %and3A_1452 = vector.broadcast %and3A_1451 : i32 to vector<16xi32>
    %and3A_1453 = arith.andi %get3A_1444, %and3A_1452 : vector<16xi32>
    %or3A_1454 = arith.ori %shift_left3A_1450, %and3A_1453 : vector<16xi32>
    %swap3A_1455 = arith.constant 1360 : index
    %swap3A_1456 = tpu.vector_load %arg5[%swap3A_1455] {strides = array<i32>} : memref<1600xi32, #tpu.memory_space<vmem>>, vector<16xi32>,
    %swap3A_1457 = vector.shape_cast %swap3A_1456 : vector<16xi32> to vector<16xi32>
    %swap3A_1458 = vector.shape_cast %or3A_1454 : vector<16xi32> to vector<16xi32>
    tpu.vector_store %arg5[%swap3A_1455], %swap3A_1458 {strides = array<i32>} : memref<1600xi32, #tpu.memory_space<vmem>>, vector<16xi32>,
    %get3A_1459 = arith.constant 1376 : index
    %get3A_1460 = tpu.vector_load %arg5[%get3A_1459] {strides = array<i32>} : memref<1600xi32, #tpu.memory_space<vmem>>, vector<16xi32>,
    %get3A_1461 = vector.shape_cast %get3A_1460 : vector<16xi32> to vector<16xi32>
    %shift_right_logical3A_1462 = arith.constant 13 : i32
    %shift_right_logical3A_1463 = vector.broadcast %shift_right_logical3A_1462 : i32 to vector<16xi32>
    %shift_right_logical3A_1464 = arith.shrui %get3A_1461, %shift_right_logical3A_1463 : vector<16xi32>
    %shift_left3A_1465 = arith.constant 12 : i32
    %shift_left3A_1466 = vector.broadcast %shift_left3A_1465 : i32 to vector<16xi32>
    %shift_left3A_1467 = arith.shli %shift_right_logical3A_1464, %shift_left3A_1466 : vector<16xi32>
    %and3A_1468 = arith.constant 4095 : i32
    %and3A_1469 = vector.broadcast %and3A_1468 : i32 to vector<16xi32>
    %and3A_1470 = arith.andi %get3A_1461, %and3A_1469 : vector<16xi32>
    %or3A_1471 = arith.ori %shift_left3A_1467, %and3A_1470 : vector<16xi32>
    %swap3A_1472 = arith.constant 1376 : index
    %swap3A_1473 = tpu.vector_load %arg5[%swap3A_1472] {strides = array<i32>} : memref<1600xi32, #tpu.memory_space<vmem>>, vector<16xi32>,
    %swap3A_1474 = vector.shape_cast %swap3A_1473 : vector<16xi32> to vector<16xi32>
    %swap3A_1475 = vector.shape_cast %or3A_1471 : vector<16xi32> to vector<16xi32>
    tpu.vector_store %arg5[%swap3A_1472], %swap3A_1475 {strides = array<i32>} : memref<1600xi32, #tpu.memory_space<vmem>>, vector<16xi32>,
    %get3A_1476 = arith.constant 1392 : index
    %get3A_1477 = tpu.vector_load %arg5[%get3A_1476] {strides = array<i32>} : memref<1600xi32, #tpu.memory_space<vmem>>, vector<16xi32>,
    %get3A_1478 = vector.shape_cast %get3A_1477 : vector<16xi32> to vector<16xi32>
    %shift_right_logical3A_1479 = arith.constant 13 : i32
    %shift_right_logical3A_1480 = vector.broadcast %shift_right_logical3A_1479 : i32 to vector<16xi32>
    %shift_right_logical3A_1481 = arith.shrui %get3A_1478, %shift_right_logical3A_1480 : vector<16xi32>
    %shift_left3A_1482 = arith.constant 12 : i32
    %shift_left3A_1483 = vector.broadcast %shift_left3A_1482 : i32 to vector<16xi32>
    %shift_left3A_1484 = arith.shli %shift_right_logical3A_1481, %shift_left3A_1483 : vector<16xi32>
    %and3A_1485 = arith.constant 4095 : i32
    %and3A_1486 = vector.broadcast %and3A_1485 : i32 to vector<16xi32>
    %and3A_1487 = arith.andi %get3A_1478, %and3A_1486 : vector<16xi32>
    %or3A_1488 = arith.ori %shift_left3A_1484, %and3A_1487 : vector<16xi32>
    %swap3A_1489 = arith.constant 1392 : index
    %swap3A_1490 = tpu.vector_load %arg5[%swap3A_1489] {strides = array<i32>} : memref<1600xi32, #tpu.memory_space<vmem>>, vector<16xi32>,
    %swap3A_1491 = vector.shape_cast %swap3A_1490 : vector<16xi32> to vector<16xi32>
    %swap3A_1492 = vector.shape_cast %or3A_1488 : vector<16xi32> to vector<16xi32>
    tpu.vector_store %arg5[%swap3A_1489], %swap3A_1492 {strides = array<i32>} : memref<1600xi32, #tpu.memory_space<vmem>>, vector<16xi32>,
    %get3A_1493 = arith.constant 1408 : index
    %get3A_1494 = tpu.vector_load %arg5[%get3A_1493] {strides = array<i32>} : memref<1600xi32, #tpu.memory_space<vmem>>, vector<16xi32>,
    %get3A_1495 = vector.shape_cast %get3A_1494 : vector<16xi32> to vector<16xi32>
    %shift_right_logical3A_1496 = arith.constant 13 : i32
    %shift_right_logical3A_1497 = vector.broadcast %shift_right_logical3A_1496 : i32 to vector<16xi32>
    %shift_right_logical3A_1498 = arith.shrui %get3A_1495, %shift_right_logical3A_1497 : vector<16xi32>
    %shift_left3A_1499 = arith.constant 12 : i32
    %shift_left3A_1500 = vector.broadcast %shift_left3A_1499 : i32 to vector<16xi32>
    %shift_left3A_1501 = arith.shli %shift_right_logical3A_1498, %shift_left3A_1500 : vector<16xi32>
    %and3A_1502 = arith.constant 4095 : i32
    %and3A_1503 = vector.broadcast %and3A_1502 : i32 to vector<16xi32>
    %and3A_1504 = arith.andi %get3A_1495, %and3A_1503 : vector<16xi32>
    %or3A_1505 = arith.ori %shift_left3A_1501, %and3A_1504 : vector<16xi32>
    %swap3A_1506 = arith.constant 1408 : index
    %swap3A_1507 = tpu.vector_load %arg5[%swap3A_1506] {strides = array<i32>} : memref<1600xi32, #tpu.memory_space<vmem>>, vector<16xi32>,
    %swap3A_1508 = vector.shape_cast %swap3A_1507 : vector<16xi32> to vector<16xi32>
    %swap3A_1509 = vector.shape_cast %or3A_1505 : vector<16xi32> to vector<16xi32>
    tpu.vector_store %arg5[%swap3A_1506], %swap3A_1509 {strides = array<i32>} : memref<1600xi32, #tpu.memory_space<vmem>>, vector<16xi32>,
    %get3A_1510 = arith.constant 1424 : index
    %get3A_1511 = tpu.vector_load %arg5[%get3A_1510] {strides = array<i32>} : memref<1600xi32, #tpu.memory_space<vmem>>, vector<16xi32>,
    %get3A_1512 = vector.shape_cast %get3A_1511 : vector<16xi32> to vector<16xi32>
    %shift_right_logical3A_1513 = arith.constant 13 : i32
    %shift_right_logical3A_1514 = vector.broadcast %shift_right_logical3A_1513 : i32 to vector<16xi32>
    %shift_right_logical3A_1515 = arith.shrui %get3A_1512, %shift_right_logical3A_1514 : vector<16xi32>
    %shift_left3A_1516 = arith.constant 12 : i32
    %shift_left3A_1517 = vector.broadcast %shift_left3A_1516 : i32 to vector<16xi32>
    %shift_left3A_1518 = arith.shli %shift_right_logical3A_1515, %shift_left3A_1517 : vector<16xi32>
    %and3A_1519 = arith.constant 4095 : i32
    %and3A_1520 = vector.broadcast %and3A_1519 : i32 to vector<16xi32>
    %and3A_1521 = arith.andi %get3A_1512, %and3A_1520 : vector<16xi32>
    %or3A_1522 = arith.ori %shift_left3A_1518, %and3A_1521 : vector<16xi32>
    %swap3A_1523 = arith.constant 1424 : index
    %swap3A_1524 = tpu.vector_load %arg5[%swap3A_1523] {strides = array<i32>} : memref<1600xi32, #tpu.memory_space<vmem>>, vector<16xi32>,
    %swap3A_1525 = vector.shape_cast %swap3A_1524 : vector<16xi32> to vector<16xi32>
    %swap3A_1526 = vector.shape_cast %or3A_1522 : vector<16xi32> to vector<16xi32>
    tpu.vector_store %arg5[%swap3A_1523], %swap3A_1526 {strides = array<i32>} : memref<1600xi32, #tpu.memory_space<vmem>>, vector<16xi32>,
    %get3A_1527 = arith.constant 1440 : index
    %get3A_1528 = tpu.vector_load %arg5[%get3A_1527] {strides = array<i32>} : memref<1600xi32, #tpu.memory_space<vmem>>, vector<16xi32>,
    %get3A_1529 = vector.shape_cast %get3A_1528 : vector<16xi32> to vector<16xi32>
    %shift_right_logical3A_1530 = arith.constant 13 : i32
    %shift_right_logical3A_1531 = vector.broadcast %shift_right_logical3A_1530 : i32 to vector<16xi32>
    %shift_right_logical3A_1532 = arith.shrui %get3A_1529, %shift_right_logical3A_1531 : vector<16xi32>
    %shift_left3A_1533 = arith.constant 12 : i32
    %shift_left3A_1534 = vector.broadcast %shift_left3A_1533 : i32 to vector<16xi32>
    %shift_left3A_1535 = arith.shli %shift_right_logical3A_1532, %shift_left3A_1534 : vector<16xi32>
    %and3A_1536 = arith.constant 4095 : i32
    %and3A_1537 = vector.broadcast %and3A_1536 : i32 to vector<16xi32>
    %and3A_1538 = arith.andi %get3A_1529, %and3A_1537 : vector<16xi32>
    %or3A_1539 = arith.ori %shift_left3A_1535, %and3A_1538 : vector<16xi32>
    %swap3A_1540 = arith.constant 1440 : index
    %swap3A_1541 = tpu.vector_load %arg5[%swap3A_1540] {strides = array<i32>} : memref<1600xi32, #tpu.memory_space<vmem>>, vector<16xi32>,
    %swap3A_1542 = vector.shape_cast %swap3A_1541 : vector<16xi32> to vector<16xi32>
    %swap3A_1543 = vector.shape_cast %or3A_1539 : vector<16xi32> to vector<16xi32>
    tpu.vector_store %arg5[%swap3A_1540], %swap3A_1543 {strides = array<i32>} : memref<1600xi32, #tpu.memory_space<vmem>>, vector<16xi32>,
    %get3A_1544 = arith.constant 1456 : index
    %get3A_1545 = tpu.vector_load %arg5[%get3A_1544] {strides = array<i32>} : memref<1600xi32, #tpu.memory_space<vmem>>, vector<16xi32>,
    %get3A_1546 = vector.shape_cast %get3A_1545 : vector<16xi32> to vector<16xi32>
    %shift_right_logical3A_1547 = arith.constant 13 : i32
    %shift_right_logical3A_1548 = vector.broadcast %shift_right_logical3A_1547 : i32 to vector<16xi32>
    %shift_right_logical3A_1549 = arith.shrui %get3A_1546, %shift_right_logical3A_1548 : vector<16xi32>
    %shift_left3A_1550 = arith.constant 12 : i32
    %shift_left3A_1551 = vector.broadcast %shift_left3A_1550 : i32 to vector<16xi32>
    %shift_left3A_1552 = arith.shli %shift_right_logical3A_1549, %shift_left3A_1551 : vector<16xi32>
    %and3A_1553 = arith.constant 4095 : i32
    %and3A_1554 = vector.broadcast %and3A_1553 : i32 to vector<16xi32>
    %and3A_1555 = arith.andi %get3A_1546, %and3A_1554 : vector<16xi32>
    %or3A_1556 = arith.ori %shift_left3A_1552, %and3A_1555 : vector<16xi32>
    %swap3A_1557 = arith.constant 1456 : index
    %swap3A_1558 = tpu.vector_load %arg5[%swap3A_1557] {strides = array<i32>} : memref<1600xi32, #tpu.memory_space<vmem>>, vector<16xi32>,
    %swap3A_1559 = vector.shape_cast %swap3A_1558 : vector<16xi32> to vector<16xi32>
    %swap3A_1560 = vector.shape_cast %or3A_1556 : vector<16xi32> to vector<16xi32>
    tpu.vector_store %arg5[%swap3A_1557], %swap3A_1560 {strides = array<i32>} : memref<1600xi32, #tpu.memory_space<vmem>>, vector<16xi32>,
    %get3A_1561 = arith.constant 1472 : index
    %get3A_1562 = tpu.vector_load %arg5[%get3A_1561] {strides = array<i32>} : memref<1600xi32, #tpu.memory_space<vmem>>, vector<16xi32>,
    %get3A_1563 = vector.shape_cast %get3A_1562 : vector<16xi32> to vector<16xi32>
    %shift_right_logical3A_1564 = arith.constant 13 : i32
    %shift_right_logical3A_1565 = vector.broadcast %shift_right_logical3A_1564 : i32 to vector<16xi32>
    %shift_right_logical3A_1566 = arith.shrui %get3A_1563, %shift_right_logical3A_1565 : vector<16xi32>
    %shift_left3A_1567 = arith.constant 12 : i32
    %shift_left3A_1568 = vector.broadcast %shift_left3A_1567 : i32 to vector<16xi32>
    %shift_left3A_1569 = arith.shli %shift_right_logical3A_1566, %shift_left3A_1568 : vector<16xi32>
    %and3A_1570 = arith.constant 4095 : i32
    %and3A_1571 = vector.broadcast %and3A_1570 : i32 to vector<16xi32>
    %and3A_1572 = arith.andi %get3A_1563, %and3A_1571 : vector<16xi32>
    %or3A_1573 = arith.ori %shift_left3A_1569, %and3A_1572 : vector<16xi32>
    %swap3A_1574 = arith.constant 1472 : index
    %swap3A_1575 = tpu.vector_load %arg5[%swap3A_1574] {strides = array<i32>} : memref<1600xi32, #tpu.memory_space<vmem>>, vector<16xi32>,
    %swap3A_1576 = vector.shape_cast %swap3A_1575 : vector<16xi32> to vector<16xi32>
    %swap3A_1577 = vector.shape_cast %or3A_1573 : vector<16xi32> to vector<16xi32>
    tpu.vector_store %arg5[%swap3A_1574], %swap3A_1577 {strides = array<i32>} : memref<1600xi32, #tpu.memory_space<vmem>>, vector<16xi32>,
    %get3A_1578 = arith.constant 1488 : index
    %get3A_1579 = tpu.vector_load %arg5[%get3A_1578] {strides = array<i32>} : memref<1600xi32, #tpu.memory_space<vmem>>, vector<16xi32>,
    %get3A_1580 = vector.shape_cast %get3A_1579 : vector<16xi32> to vector<16xi32>
    %shift_right_logical3A_1581 = arith.constant 13 : i32
    %shift_right_logical3A_1582 = vector.broadcast %shift_right_logical3A_1581 : i32 to vector<16xi32>
    %shift_right_logical3A_1583 = arith.shrui %get3A_1580, %shift_right_logical3A_1582 : vector<16xi32>
    %shift_left3A_1584 = arith.constant 12 : i32
    %shift_left3A_1585 = vector.broadcast %shift_left3A_1584 : i32 to vector<16xi32>
    %shift_left3A_1586 = arith.shli %shift_right_logical3A_1583, %shift_left3A_1585 : vector<16xi32>
    %and3A_1587 = arith.constant 4095 : i32
    %and3A_1588 = vector.broadcast %and3A_1587 : i32 to vector<16xi32>
    %and3A_1589 = arith.andi %get3A_1580, %and3A_1588 : vector<16xi32>
    %or3A_1590 = arith.ori %shift_left3A_1586, %and3A_1589 : vector<16xi32>
    %swap3A_1591 = arith.constant 1488 : index
    %swap3A_1592 = tpu.vector_load %arg5[%swap3A_1591] {strides = array<i32>} : memref<1600xi32, #tpu.memory_space<vmem>>, vector<16xi32>,
    %swap3A_1593 = vector.shape_cast %swap3A_1592 : vector<16xi32> to vector<16xi32>
    %swap3A_1594 = vector.shape_cast %or3A_1590 : vector<16xi32> to vector<16xi32>
    tpu.vector_store %arg5[%swap3A_1591], %swap3A_1594 {strides = array<i32>} : memref<1600xi32, #tpu.memory_space<vmem>>, vector<16xi32>,
    %get3A_1595 = arith.constant 1504 : index
    %get3A_1596 = tpu.vector_load %arg5[%get3A_1595] {strides = array<i32>} : memref<1600xi32, #tpu.memory_space<vmem>>, vector<16xi32>,
    %get3A_1597 = vector.shape_cast %get3A_1596 : vector<16xi32> to vector<16xi32>
    %shift_right_logical3A_1598 = arith.constant 13 : i32
    %shift_right_logical3A_1599 = vector.broadcast %shift_right_logical3A_1598 : i32 to vector<16xi32>
    %shift_right_logical3A_1600 = arith.shrui %get3A_1597, %shift_right_logical3A_1599 : vector<16xi32>
    %shift_left3A_1601 = arith.constant 12 : i32
    %shift_left3A_1602 = vector.broadcast %shift_left3A_1601 : i32 to vector<16xi32>
    %shift_left3A_1603 = arith.shli %shift_right_logical3A_1600, %shift_left3A_1602 : vector<16xi32>
    %and3A_1604 = arith.constant 4095 : i32
    %and3A_1605 = vector.broadcast %and3A_1604 : i32 to vector<16xi32>
    %and3A_1606 = arith.andi %get3A_1597, %and3A_1605 : vector<16xi32>
    %or3A_1607 = arith.ori %shift_left3A_1603, %and3A_1606 : vector<16xi32>
    %swap3A_1608 = arith.constant 1504 : index
    %swap3A_1609 = tpu.vector_load %arg5[%swap3A_1608] {strides = array<i32>} : memref<1600xi32, #tpu.memory_space<vmem>>, vector<16xi32>,
    %swap3A_1610 = vector.shape_cast %swap3A_1609 : vector<16xi32> to vector<16xi32>
    %swap3A_1611 = vector.shape_cast %or3A_1607 : vector<16xi32> to vector<16xi32>
    tpu.vector_store %arg5[%swap3A_1608], %swap3A_1611 {strides = array<i32>} : memref<1600xi32, #tpu.memory_space<vmem>>, vector<16xi32>,
    %get3A_1612 = arith.constant 1520 : index
    %get3A_1613 = tpu.vector_load %arg5[%get3A_1612] {strides = array<i32>} : memref<1600xi32, #tpu.memory_space<vmem>>, vector<16xi32>,
    %get3A_1614 = vector.shape_cast %get3A_1613 : vector<16xi32> to vector<16xi32>
    %shift_right_logical3A_1615 = arith.constant 13 : i32
    %shift_right_logical3A_1616 = vector.broadcast %shift_right_logical3A_1615 : i32 to vector<16xi32>
    %shift_right_logical3A_1617 = arith.shrui %get3A_1614, %shift_right_logical3A_1616 : vector<16xi32>
    %shift_left3A_1618 = arith.constant 12 : i32
    %shift_left3A_1619 = vector.broadcast %shift_left3A_1618 : i32 to vector<16xi32>
    %shift_left3A_1620 = arith.shli %shift_right_logical3A_1617, %shift_left3A_1619 : vector<16xi32>
    %and3A_1621 = arith.constant 4095 : i32
    %and3A_1622 = vector.broadcast %and3A_1621 : i32 to vector<16xi32>
    %and3A_1623 = arith.andi %get3A_1614, %and3A_1622 : vector<16xi32>
    %or3A_1624 = arith.ori %shift_left3A_1620, %and3A_1623 : vector<16xi32>
    %swap3A_1625 = arith.constant 1520 : index
    %swap3A_1626 = tpu.vector_load %arg5[%swap3A_1625] {strides = array<i32>} : memref<1600xi32, #tpu.memory_space<vmem>>, vector<16xi32>,
    %swap3A_1627 = vector.shape_cast %swap3A_1626 : vector<16xi32> to vector<16xi32>
    %swap3A_1628 = vector.shape_cast %or3A_1624 : vector<16xi32> to vector<16xi32>
    tpu.vector_store %arg5[%swap3A_1625], %swap3A_1628 {strides = array<i32>} : memref<1600xi32, #tpu.memory_space<vmem>>, vector<16xi32>,
    %get3A_1629 = arith.constant 1536 : index
    %get3A_1630 = tpu.vector_load %arg5[%get3A_1629] {strides = array<i32>} : memref<1600xi32, #tpu.memory_space<vmem>>, vector<16xi32>,
    %get3A_1631 = vector.shape_cast %get3A_1630 : vector<16xi32> to vector<16xi32>
    %shift_right_logical3A_1632 = arith.constant 13 : i32
    %shift_right_logical3A_1633 = vector.broadcast %shift_right_logical3A_1632 : i32 to vector<16xi32>
    %shift_right_logical3A_1634 = arith.shrui %get3A_1631, %shift_right_logical3A_1633 : vector<16xi32>
    %shift_left3A_1635 = arith.constant 12 : i32
    %shift_left3A_1636 = vector.broadcast %shift_left3A_1635 : i32 to vector<16xi32>
    %shift_left3A_1637 = arith.shli %shift_right_logical3A_1634, %shift_left3A_1636 : vector<16xi32>
    %and3A_1638 = arith.constant 4095 : i32
    %and3A_1639 = vector.broadcast %and3A_1638 : i32 to vector<16xi32>
    %and3A_1640 = arith.andi %get3A_1631, %and3A_1639 : vector<16xi32>
    %or3A_1641 = arith.ori %shift_left3A_1637, %and3A_1640 : vector<16xi32>
    %swap3A_1642 = arith.constant 1536 : index
    %swap3A_1643 = tpu.vector_load %arg5[%swap3A_1642] {strides = array<i32>} : memref<1600xi32, #tpu.memory_space<vmem>>, vector<16xi32>,
    %swap3A_1644 = vector.shape_cast %swap3A_1643 : vector<16xi32> to vector<16xi32>
    %swap3A_1645 = vector.shape_cast %or3A_1641 : vector<16xi32> to vector<16xi32>
    tpu.vector_store %arg5[%swap3A_1642], %swap3A_1645 {strides = array<i32>} : memref<1600xi32, #tpu.memory_space<vmem>>, vector<16xi32>,
    %get3A_1646 = arith.constant 1552 : index
    %get3A_1647 = tpu.vector_load %arg5[%get3A_1646] {strides = array<i32>} : memref<1600xi32, #tpu.memory_space<vmem>>, vector<16xi32>,
    %get3A_1648 = vector.shape_cast %get3A_1647 : vector<16xi32> to vector<16xi32>
    %shift_right_logical3A_1649 = arith.constant 13 : i32
    %shift_right_logical3A_1650 = vector.broadcast %shift_right_logical3A_1649 : i32 to vector<16xi32>
    %shift_right_logical3A_1651 = arith.shrui %get3A_1648, %shift_right_logical3A_1650 : vector<16xi32>
    %shift_left3A_1652 = arith.constant 12 : i32
    %shift_left3A_1653 = vector.broadcast %shift_left3A_1652 : i32 to vector<16xi32>
    %shift_left3A_1654 = arith.shli %shift_right_logical3A_1651, %shift_left3A_1653 : vector<16xi32>
    %and3A_1655 = arith.constant 4095 : i32
    %and3A_1656 = vector.broadcast %and3A_1655 : i32 to vector<16xi32>
    %and3A_1657 = arith.andi %get3A_1648, %and3A_1656 : vector<16xi32>
    %or3A_1658 = arith.ori %shift_left3A_1654, %and3A_1657 : vector<16xi32>
    %swap3A_1659 = arith.constant 1552 : index
    %swap3A_1660 = tpu.vector_load %arg5[%swap3A_1659] {strides = array<i32>} : memref<1600xi32, #tpu.memory_space<vmem>>, vector<16xi32>,
    %swap3A_1661 = vector.shape_cast %swap3A_1660 : vector<16xi32> to vector<16xi32>
    %swap3A_1662 = vector.shape_cast %or3A_1658 : vector<16xi32> to vector<16xi32>
    tpu.vector_store %arg5[%swap3A_1659], %swap3A_1662 {strides = array<i32>} : memref<1600xi32, #tpu.memory_space<vmem>>, vector<16xi32>,
    %get3A_1663 = arith.constant 1568 : index
    %get3A_1664 = tpu.vector_load %arg5[%get3A_1663] {strides = array<i32>} : memref<1600xi32, #tpu.memory_space<vmem>>, vector<16xi32>,
    %get3A_1665 = vector.shape_cast %get3A_1664 : vector<16xi32> to vector<16xi32>
    %shift_right_logical3A_1666 = arith.constant 13 : i32
    %shift_right_logical3A_1667 = vector.broadcast %shift_right_logical3A_1666 : i32 to vector<16xi32>
    %shift_right_logical3A_1668 = arith.shrui %get3A_1665, %shift_right_logical3A_1667 : vector<16xi32>
    %shift_left3A_1669 = arith.constant 12 : i32
    %shift_left3A_1670 = vector.broadcast %shift_left3A_1669 : i32 to vector<16xi32>
    %shift_left3A_1671 = arith.shli %shift_right_logical3A_1668, %shift_left3A_1670 : vector<16xi32>
    %and3A_1672 = arith.constant 4095 : i32
    %and3A_1673 = vector.broadcast %and3A_1672 : i32 to vector<16xi32>
    %and3A_1674 = arith.andi %get3A_1665, %and3A_1673 : vector<16xi32>
    %or3A_1675 = arith.ori %shift_left3A_1671, %and3A_1674 : vector<16xi32>
    %swap3A_1676 = arith.constant 1568 : index
    %swap3A_1677 = tpu.vector_load %arg5[%swap3A_1676] {strides = array<i32>} : memref<1600xi32, #tpu.memory_space<vmem>>, vector<16xi32>,
    %swap3A_1678 = vector.shape_cast %swap3A_1677 : vector<16xi32> to vector<16xi32>
    %swap3A_1679 = vector.shape_cast %or3A_1675 : vector<16xi32> to vector<16xi32>
    tpu.vector_store %arg5[%swap3A_1676], %swap3A_1679 {strides = array<i32>} : memref<1600xi32, #tpu.memory_space<vmem>>, vector<16xi32>,
    %get3A_1680 = arith.constant 1584 : index
    %get3A_1681 = tpu.vector_load %arg5[%get3A_1680] {strides = array<i32>} : memref<1600xi32, #tpu.memory_space<vmem>>, vector<16xi32>,
    %get3A_1682 = vector.shape_cast %get3A_1681 : vector<16xi32> to vector<16xi32>
    %shift_right_logical3A_1683 = arith.constant 13 : i32
    %shift_right_logical3A_1684 = vector.broadcast %shift_right_logical3A_1683 : i32 to vector<16xi32>
    %shift_right_logical3A_1685 = arith.shrui %get3A_1682, %shift_right_logical3A_1684 : vector<16xi32>
    %shift_left3A_1686 = arith.constant 12 : i32
    %shift_left3A_1687 = vector.broadcast %shift_left3A_1686 : i32 to vector<16xi32>
    %shift_left3A_1688 = arith.shli %shift_right_logical3A_1685, %shift_left3A_1687 : vector<16xi32>
    %and3A_1689 = arith.constant 4095 : i32
    %and3A_1690 = vector.broadcast %and3A_1689 : i32 to vector<16xi32>
    %and3A_1691 = arith.andi %get3A_1682, %and3A_1690 : vector<16xi32>
    %or3A_1692 = arith.ori %shift_left3A_1688, %and3A_1691 : vector<16xi32>
    %swap3A_1693 = arith.constant 1584 : index
    %swap3A_1694 = tpu.vector_load %arg5[%swap3A_1693] {strides = array<i32>} : memref<1600xi32, #tpu.memory_space<vmem>>, vector<16xi32>,
    %swap3A_1695 = vector.shape_cast %swap3A_1694 : vector<16xi32> to vector<16xi32>
    %swap3A_1696 = vector.shape_cast %or3A_1692 : vector<16xi32> to vector<16xi32>
    tpu.vector_store %arg5[%swap3A_1693], %swap3A_1696 {strides = array<i32>} : memref<1600xi32, #tpu.memory_space<vmem>>, vector<16xi32>,
    %dma_start3A = arith.constant 0 : i32
    %dma_start3A_1697 = tpu.memref_slice %arg5[%dma_start3A] : memref<1600xi32, #tpu.memory_space<vmem>> -> memref<800xi32, #tpu.memory_space<vmem>>
    %dma_start3A_1698 = arith.constant 0 : i32
    %dma_start3A_1699 = arith.constant 0 : i32
    %dma_start3A_1700 = tpu.memref_slice %arg2[%dma_start3A_1698, %dma_start3A_1699] : memref<503808x128xf32, #tpu.memory_space<hbm>> -> memref<503808x128xf32, #tpu.memory_space<hbm>>
    tpu.enqueue_indirect_dma source(%dma_start3A_1700 : memref<503808x128xf32, #tpu.memory_space<hbm>>) target(%arg6 : memref<800x128xf32, #tpu.memory_space<vmem>>) offsets(%dma_start3A_1697 : memref<800xi32, #tpu.memory_space<vmem>>) semaphore(%arg7 : memref<!tpu.dma_semaphore, #tpu.memory_space<semaphore_mem>>)
    %dma_wait3A = arith.constant 0 : i32
    %dma_wait3A_1701 = tpu.memref_slice %arg5[%dma_wait3A] : memref<1600xi32, #tpu.memory_space<vmem>> -> memref<800xi32, #tpu.memory_space<vmem>>
    %dma_wait3A_1702 = arith.constant 0 : i32
    %dma_wait3A_1703 = arith.constant 0 : i32
    %dma_wait3A_1704 = tpu.memref_slice %arg2[%dma_wait3A_1702, %dma_wait3A_1703] : memref<503808x128xf32, #tpu.memory_space<hbm>> -> memref<503808x128xf32, #tpu.memory_space<hbm>>
    tpu.wait_indirect_dma semaphore(%arg7 : memref<!tpu.dma_semaphore, #tpu.memory_space<semaphore_mem>>) src(%dma_wait3A_1704 : memref<503808x128xf32, #tpu.memory_space<hbm>>) dst(%arg6 : memref<800x128xf32, #tpu.memory_space<vmem>>)
    %add3A_1705 = arith.constant 0 : i32
    %add3A_1706 = arith.addi %mul3A_2, %add3A_1705 : i32
    "tpu.region"() ({
      %run_scoped3A = tpu.sem_alloc : memref<!tpu.dma_semaphore, #tpu.memory_space<semaphore_mem>>
      %dma_start3A_1719 = arith.constant 0 : i32
      %dma_start3A_1720 = tpu.memref_slice %arg4[%add3A_1706, %dma_start3A_1719] : memref<51200x128xf32, #tpu.memory_space<hbm>> -> memref<800x128xf32, #tpu.memory_space<hbm>>
      %dma_start3A_1721 = arith.constant 0 : i32
      %dma_start3A_1722 = tpu.memref_slice %arg4[%add3A_1706, %dma_start3A_1721] : memref<51200x128xf32, #tpu.memory_space<hbm>> -> memref<800x128xf32, #tpu.memory_space<hbm>>
      tpu.enqueue_dma source(%arg6 : memref<800x128xf32, #tpu.memory_space<vmem>>) target(%dma_start3A_1722 : memref<800x128xf32, #tpu.memory_space<hbm>>) target_semaphore(%run_scoped3A : memref<!tpu.dma_semaphore, #tpu.memory_space<semaphore_mem>>)
      %dma_wait3A_1723 = arith.constant 0 : i32
      %dma_wait3A_1724 = tpu.memref_slice %arg4[%add3A_1706, %dma_wait3A_1723] : memref<51200x128xf32, #tpu.memory_space<hbm>> -> memref<800x128xf32, #tpu.memory_space<hbm>>
      %dma_wait3A_1725 = arith.constant 0 : i32
      %dma_wait3A_1726 = tpu.memref_slice %arg4[%add3A_1706, %dma_wait3A_1725] : memref<51200x128xf32, #tpu.memory_space<hbm>> -> memref<800x128xf32, #tpu.memory_space<hbm>>
      tpu.wait_dma2 semaphore(%run_scoped3A : memref<!tpu.dma_semaphore, #tpu.memory_space<semaphore_mem>>) src(%arg6 : memref<800x128xf32, #tpu.memory_space<vmem>>) dst(%dma_wait3A_1726 : memref<800x128xf32, #tpu.memory_space<hbm>>)
      tpu.yield
    }) : () -> ()
    %dma_start3A_1707 = arith.constant 800 : i32
    %dma_start3A_1708 = tpu.memref_slice %arg5[%dma_start3A_1707] : memref<1600xi32, #tpu.memory_space<vmem>> -> memref<800xi32, #tpu.memory_space<vmem>>
    %dma_start3A_1709 = arith.constant 0 : i32
    %dma_start3A_1710 = arith.constant 0 : i32
    %dma_start3A_1711 = tpu.memref_slice %arg2[%dma_start3A_1709, %dma_start3A_1710] : memref<503808x128xf32, #tpu.memory_space<hbm>> -> memref<503808x128xf32, #tpu.memory_space<hbm>>
    tpu.enqueue_indirect_dma source(%dma_start3A_1711 : memref<503808x128xf32, #tpu.memory_space<hbm>>) target(%arg6 : memref<800x128xf32, #tpu.memory_space<vmem>>) offsets(%dma_start3A_1708 : memref<800xi32, #tpu.memory_space<vmem>>) semaphore(%arg7 : memref<!tpu.dma_semaphore, #tpu.memory_space<semaphore_mem>>)
    %dma_wait3A_1712 = arith.constant 800 : i32
    %dma_wait3A_1713 = tpu.memref_slice %arg5[%dma_wait3A_1712] : memref<1600xi32, #tpu.memory_space<vmem>> -> memref<800xi32, #tpu.memory_space<vmem>>
    %dma_wait3A_1714 = arith.constant 0 : i32
    %dma_wait3A_1715 = arith.constant 0 : i32
    %dma_wait3A_1716 = tpu.memref_slice %arg2[%dma_wait3A_1714, %dma_wait3A_1715] : memref<503808x128xf32, #tpu.memory_space<hbm>> -> memref<503808x128xf32, #tpu.memory_space<hbm>>
    tpu.wait_indirect_dma semaphore(%arg7 : memref<!tpu.dma_semaphore, #tpu.memory_space<semaphore_mem>>) src(%dma_wait3A_1716 : memref<503808x128xf32, #tpu.memory_space<hbm>>) dst(%arg6 : memref<800x128xf32, #tpu.memory_space<vmem>>)
    %add3A_1717 = arith.constant 800 : i32
    %add3A_1718 = arith.addi %mul3A_2, %add3A_1717 : i32
    "tpu.region"() ({
      %run_scoped3A = tpu.sem_alloc : memref<!tpu.dma_semaphore, #tpu.memory_space<semaphore_mem>>
      %dma_start3A_1719 = arith.constant 0 : i32
      %dma_start3A_1720 = tpu.memref_slice %arg4[%add3A_1718, %dma_start3A_1719] : memref<51200x128xf32, #tpu.memory_space<hbm>> -> memref<800x128xf32, #tpu.memory_space<hbm>>
      %dma_start3A_1721 = arith.constant 0 : i32
      %dma_start3A_1722 = tpu.memref_slice %arg4[%add3A_1718, %dma_start3A_1721] : memref<51200x128xf32, #tpu.memory_space<hbm>> -> memref<800x128xf32, #tpu.memory_space<hbm>>
      tpu.enqueue_dma source(%arg6 : memref<800x128xf32, #tpu.memory_space<vmem>>) target(%dma_start3A_1722 : memref<800x128xf32, #tpu.memory_space<hbm>>) target_semaphore(%run_scoped3A : memref<!tpu.dma_semaphore, #tpu.memory_space<semaphore_mem>>)
      %dma_wait3A_1723 = arith.constant 0 : i32
      %dma_wait3A_1724 = tpu.memref_slice %arg4[%add3A_1718, %dma_wait3A_1723] : memref<51200x128xf32, #tpu.memory_space<hbm>> -> memref<800x128xf32, #tpu.memory_space<hbm>>
      %dma_wait3A_1725 = arith.constant 0 : i32
      %dma_wait3A_1726 = tpu.memref_slice %arg4[%add3A_1718, %dma_wait3A_1725] : memref<51200x128xf32, #tpu.memory_space<hbm>> -> memref<800x128xf32, #tpu.memory_space<hbm>>
      tpu.wait_dma2 semaphore(%run_scoped3A : memref<!tpu.dma_semaphore, #tpu.memory_space<semaphore_mem>>) src(%arg6 : memref<800x128xf32, #tpu.memory_space<vmem>>) dst(%dma_wait3A_1726 : memref<800x128xf32, #tpu.memory_space<hbm>>)
      tpu.yield
    }) : () -> ()
    return
  }
}

module attributes {stable_mosaic.version = 14 : i64} {
  func.func @_transpose_body(%arg0: i32, %arg1: memref<64x8192xf32, #tpu.memory_space<vmem>>, %arg2: memref<4096x128xf32, #tpu.memory_space<vmem>>) attributes {dimension_semantics = [#tpu.dimension_semantics<arbitrary>], iteration_bounds = array<i64: 123>, scalar_prefetch = 0 : i64, scratch_operands = 0 : i64, tpu.core_type = #tpu.core_type<tc>, window_params = [{transform_indices = @transform_0, window_bounds = array<i64: 64, 8192>}, {transform_indices = @transform_1, window_bounds = array<i64: 4096, 128>}]} {
    %get3A = arith.constant 0 : index
    %get3A_0 = arith.constant 0 : index
    %get3A_1 = vector.load %arg1[%get3A, %get3A_0] : memref<64x8192xf32, #tpu.memory_space<vmem>>, vector<64x8192xf32>
    %iota3A = tpu.iota {dimensions = array<i32: 0>} : vector<64x64xi32>
    %iota3A_2 = tpu.iota {dimensions = array<i32: 1>} : vector<64x64xi32>
    %eq3A = arith.cmpi eq, %iota3A, %iota3A_2 : vector<64x64xi32>
    %convert_element_type3A = arith.extui %eq3A : vector<64x64xi1> to vector<64x64xi32>
    %convert_element_type3A_3 = arith.sitofp %convert_element_type3A : vector<64x64xi32> to vector<64x64xf32>
    %dot_general3A = arith.constant dense<0.000000e+00> : vector<8192x64xf32>
    %dot_general3A_4 = tpu.matmul %get3A_1, %convert_element_type3A_3, %dot_general3A {dimension_numbers = #tpu.dot_dimension_numbers<[0], [0], [1], [1], [0, 1, 1, 1], [], []>, transpose_lhs_hint = false} : vector<64x8192xf32>, vector<64x64xf32>, vector<8192x64xf32> -> vector<8192x64xf32>
    %slice3A = vector.extract_strided_slice %dot_general3A_4 {offsets = [0, 0], sizes = [4096, 64], strides = [1, 1]} : vector<8192x64xf32> to vector<4096x64xf32>
    %swap3A = arith.constant 0 : index
    %swap3A_5 = arith.constant 0 : index
    %swap3A_6 = vector.load %arg2[%swap3A, %swap3A_5] : memref<4096x128xf32, #tpu.memory_space<vmem>>, vector<4096x64xf32>
    tpu.vector_store %arg2[%swap3A, %swap3A_5], %slice3A {strides = array<i32>} : memref<4096x128xf32, #tpu.memory_space<vmem>>, vector<4096x64xf32>,
    %slice3A_7 = vector.extract_strided_slice %dot_general3A_4 {offsets = [4096, 0], sizes = [4096, 64], strides = [1, 1]} : vector<8192x64xf32> to vector<4096x64xf32>
    %swap3A_8 = arith.constant 0 : index
    %swap3A_9 = arith.constant 64 : index
    %swap3A_10 = vector.load %arg2[%swap3A_8, %swap3A_9] : memref<4096x128xf32, #tpu.memory_space<vmem>>, vector<4096x64xf32>
    tpu.vector_store %arg2[%swap3A_8, %swap3A_9], %slice3A_7 {strides = array<i32>} : memref<4096x128xf32, #tpu.memory_space<vmem>>, vector<4096x64xf32>,
    return
  }
  func.func @transform_0(%arg0: i32) -> (i32, i32) {
    %c0_i32 = arith.constant 0 : i32
    %c0_i32_0 = arith.constant 0 : i32
    return %c0_i32, %arg0 : i32, i32
  }
  func.func @transform_1(%arg0: i32) -> (i32, i32) {
    %c0_i32 = arith.constant 0 : i32
    %c0_i32_0 = arith.constant 0 : i32
    return %arg0, %c0_i32 : i32, i32
  }
}

</mosaic_0001>

<sc_bundles>
// kernel: kernel.4.cloned.1.call-start
scs
__scs_entry_jumppad:
0x0: {  	(pc) =	sbr.rel $0x88, $3  }
0x1: {  	(tag) =	ssettag $0x0;
	lr =	simm.s32 $0x1  }
0x2: {  	[smem:$0x3F9D] =	sst lr;
	_ =	strace $0xD0000000  }
0x3: {  	_ = 	snop  }
0x4: {  	_ = 	snop  }
0x5: {  	_ = 	snop  }
0x6: {  	_ = 	snop  }
0x7: {  	_ = 	snop  }
__scs_overlays_trampoline_lowered:
0x8: {  	[smem:$0x3FAC] =	sst s0  }
0x9: {  	[smem:$0x3FAD] =	sst s1  }
0xa: {  	[smem:$0x3FAE] =	sst s2  }
0xb: {  	[smem:$0x3FAF] =	sst s3  }
0xc: {  	[smem:$0x3FB0] =	sst s4  }
0xd: {  	[smem:$0x3FB1] =	sst s5  }
0xe: {  	[smem:$0x3FB2] =	sst s6  }
0xf: {  	[smem:$0x3FB3] =	sst s7  }
0x10: {  	[smem:$0x3FB4] =	sst s8  }
0x11: {  	[smem:$0x3FB5] =	sst s9;
	s0 =	simm.s32 @!p0 $0x0  }
0x12: {  	s1 =	sld [smem:$0x3F9B];
	s0 =	simm.s32 @p0 $0x1  }
0x13: {  	[smem:$0x3FB6] =	sst s0;
	s0 =	simm.s32 @!p1 $0x0  }
0x14: {  	s2 =	sld [smem:$0x3F9A];
	s0 =	simm.s32 @p1 $0x1  }
0x15: {  	[smem:$0x3FB7] =	sst s0;
	s0 =	simm.s32 @!p2 $0x0  }
0x16: {  	s3 =	sld [smem:$0x3FDB];
	s0 =	simm.s32 @p2 $0x1  }
0x17: {  	s4 =	simm.s32 $0x1BF5;
	[smem:$0x3FB9] =	sst s0  }
0x18: {  	s0 =	sld [smem:$0x3F9C];
	_ =	swait.ge [sflag:s4], $0x0  }
0x19: {  	s7 =	sld [smem:$0x3F9D]  }
0x1a: {  	s8 =	sadd.s32 $0xFFFFE003, lr  }
0x1b: {  	s9 =	sadd.s32 $0xFFFFFEF7, lr;
	s5 =	simm.s32 $0xFFFFFFFF;
	p2 =	slt.u32 s8, $0xFFFFF086  }
0x1c: {  	p1 =	slt.u32 s9, $0xF7A;
	s5 =	simm.s32 @!p2 $0x0  }
0x1d: {  	s5 =	simm.s32 @p1 $0x1;
	p0 =	seq.s32 s7, s2  }
0x1e: {  	s7 =	smul.u32 @!p0 $0xF7A, s2;
	p2 =	seq.s32 @!p0 s5, $0x0  }
0x1f: {  	s9 =	smul.u32 $0xF7A, s1;
	s8 =	simm.s32 @!p0 $0x1BF5;
	p2 =	por !p2, p0  }
0x20: {  	[sflag:s8] =	ssyncset.s32 @!p0 $0xFFFFF086;
	s6 =	sadd.s32 @!p0 s3, s7;
	s7 =	simm.s32 @!p0 $0x108  }
0x21: {  	s3 =	sadd.s32 s3, s9;
	s6 =	sadd.s32 @!p0 $0x88, s6;
	s7 =	simm.s32 @p2 $0x1082  }
0x22: {  	[simem:s7], [sflag:s8] =	dma.local @!p0 [hbm:s6], $0xF7A  }
0x23: {  	s9 =	sor.u32 $0xD0000000, s2;
	s6 =	simm.s32 $0x108;
	_ =	swait.ge @!p0 [sflag:s8], $0x0  }
0x24: {  	s3 =	sadd.s32 $0x88, s3;
	s6 =	simm.s32 @!p1 $0x1082;
	[sflag:s4] =	ssyncset.s32 $0xFFFFF086  }
0x25: {  	[simem:s6], [sflag:s4] =	dma.local [hbm:s3], $0xF7A  }
0x26: {  	[smem:$0x3F9D] =	sst s1;
	(tag) =	ssettag s2;
	_ =	strace s9  }
0x27: {  	s1 =	sld [smem:$0x3FAD]  }
0x28: {  	s2 =	sld [smem:$0x3FAE]  }
0x29: {  	s4 =	sld [smem:$0x3FB0]  }
0x2a: {  	p0 =	seq.s32 s5, $0x0;
	s5 =	sld [smem:$0x3FB1]  }
0x2b: {  	s6 =	sld [smem:$0x3FB2]  }
0x2c: {  	s7 =	sld [smem:$0x3FB3]  }
0x2d: {  	s3 =	simm.s32 $0x108;
	s8 =	sld [smem:$0x3FB4]  }
0x2e: {  	s3 =	simm.s32 @!p0 $0x1082;
	s9 =	sld [smem:$0x3FB5]  }
0x2f: {  	lr =	sadd.s32 s0, s3;
	s0 =	sld [smem:$0x3FAC]  }
0x30: {  	s3 =	sld [smem:$0x3FAF]  }
0x31: {  	[smem:$0x3FB8] =	sst s10  }
0x32: {  	s10 =	sld [smem:$0x3FB6];
	_ =	sdelay $0x3  }
0x33: {  	p0 =	seq.s32 s10, $0x1;
	s10 =	sld [smem:$0x3FB8];
	_ =	sdelay $0x3  }
0x34: {  	[smem:$0x3FB8] =	sst s10  }
0x35: {  	s10 =	sld [smem:$0x3FB7];
	_ =	sdelay $0x3  }
0x36: {  	p1 =	seq.s32 s10, $0x1;
	s10 =	sld [smem:$0x3FB8];
	_ =	sdelay $0x3  }
0x37: {  	[smem:$0x3FB8] =	sst s10  }
0x38: {  	s10 =	sld [smem:$0x3FB9]  }
0x39: {  	_ = 	snop;
	(pc) =	sbr.ind lr, $3  }
0x3a: {  	_ = 	snop  }
0x3b: {  	_ = 	snop  }
0x3c: {  	p2 =	seq.s32 s10, $0x1;
	s10 =	sld [smem:$0x3FB8]  }
0x3d: {  	_ =	shalt  }
0x3e: {  	_ =	shalt  }
0x3f: {  	_ =	shalt  }
0x40: {  	_ =	shalt  }
0x41: {  	_ =	shalt  }
0x42: {  	_ =	shalt  }
0x43: {  	_ =	shalt  }
0x44: {  	_ =	shalt  }
0x45: {  	_ =	shalt  }
0x46: {  	_ =	shalt  }
0x47: {  	_ =	shalt  }
0x48: {  	_ =	shalt  }
0x49: {  	_ =	shalt  }
0x4a: {  	_ =	shalt  }
0x4b: {  	_ =	shalt  }
0x4c: {  	_ =	shalt  }
0x4d: {  	_ =	shalt  }
0x4e: {  	_ =	shalt  }
0x4f: {  	_ =	shalt  }
0x50: {  	_ =	shalt  }
0x51: {  	_ =	shalt  }
0x52: {  	_ =	shalt  }
0x53: {  	_ =	shalt  }
0x54: {  	_ =	shalt  }
0x55: {  	_ =	shalt  }
0x56: {  	_ =	shalt  }
0x57: {  	_ =	shalt  }
0x58: {  	_ =	shalt  }
0x59: {  	_ =	shalt  }
0x5a: {  	_ =	shalt  }
0x5b: {  	_ =	shalt  }
0x5c: {  	_ =	shalt  }
0x5d: {  	_ =	shalt  }
0x5e: {  	_ =	shalt  }
0x5f: {  	_ =	shalt  }
0x60: {  	_ =	shalt  }
0x61: {  	_ =	shalt  }
0x62: {  	_ =	shalt  }
0x63: {  	_ =	shalt  }
0x64: {  	_ =	shalt  }
0x65: {  	_ =	shalt  }
0x66: {  	_ =	shalt  }
0x67: {  	_ =	shalt  }
0x68: {  	_ =	shalt  }
0x69: {  	_ =	shalt  }
0x6a: {  	_ =	shalt  }
0x6b: {  	_ =	shalt  }
0x6c: {  	_ =	shalt  }
0x6d: {  	_ =	shalt  }
0x6e: {  	_ =	shalt  }
0x6f: {  	_ =	shalt  }
0x70: {  	_ =	shalt  }
0x71: {  	_ =	shalt  }
0x72: {  	_ =	shalt  }
0x73: {  	_ =	shalt  }
0x74: {  	_ =	shalt  }
0x75: {  	_ =	shalt  }
0x76: {  	_ =	shalt  }
0x77: {  	_ =	shalt  }
0x78: {  	_ =	shalt  }
0x79: {  	_ =	shalt  }
0x7a: {  	_ =	shalt  }
0x7b: {  	_ =	shalt  }
0x7c: {  	_ =	shalt  }
0x7d: {  	_ =	shalt  }
0x7e: {  	_ =	shalt  }
0x7f: {  	_ =	shalt  }
0x80: {  	_ =	shalt  }
0x81: {  	_ =	shalt  }
0x82: {  	_ =	shalt  }
0x83: {  	_ =	shalt  }
0x84: {  	_ =	shalt  }
0x85: {  	_ =	shalt  }
0x86: {  	_ =	shalt  }
0x87: {  	_ =	shalt  }
.Lfunc_end0:
.L_simem_size_0:
called_computation_lowered:
.L_overlay_start_0:
0x88: {  	s2 =	sld [smem:$0x3FD9]  }
0x89: {  	s3 =	sld [smem:$0x3FFE];
	_ =	sdelay $0x1  }
0x8a: {  	s1 =	srdreg.scid  }
0x8b: {  	s0 =	sand.u32 $0x1, s1  }
0x8c: {  	s14 =	sshll.u32 s0, $0xA;
	s2 =	sadd.s32 s3, s2  }
0x8d: {  	s2 =	sadd.s32 s2, s14  }
0x8e: {  	[smem:$0x3FC4] =	sst s2  }
0x8f: {  	_ = 	snop  }
0x90: {  	s2 =	sld [smem:$0x3FD0];
	_ =	sdelay $0x2  }
0x91: {  	s15 =	simm.s32 $0xA;
	s4 =	simm.s32 $0x10  }
0x92: {  	[smem:s4], [sflag:s15] =	dma.local [hbm:s2], $0x1  }
0x93: {  	_ =	swait.eq [sflag:s15], $0x1  }
0x94: {  	[sflag:s15] =	ssyncset.done $0x0  }
0x95: {  	[sflag:s15] =	ssyncadd.s32 $0xFFFFFFFF  }
0x96: {  	s16 =	sld [smem:$0x11];
	(tm) =	ssettm $0x1  }
0x97: {  	s17 =	sld [smem:$0x3FFB];
	_ =	sdelay $0x3  }
0x98: {  	_ =	strace s17  }
0x99: {  	s3 =	sld [smem:$0x3FFC];
	_ =	sdelay $0x3  }
0x9a: {  	_ =	strace s3  }
0x9b: {  	s3 =	sld [smem:$0x3FFD];
	_ =	sdelay $0x3  }
0x9c: {  	_ =	strace s3  }
0x9d: {  	_ =	strace $0x8FFFFFFF  }
0x9e: {  	s18 =	sld [smem:$0x3FDB];
	_ =	sdelay $0x1  }
0x9f: {  	s19 =	simm.s32 $_scs_section_size  }
0xa0: {  	s5 =	simm.s32 $_size__tile_overlayer_lowered;
	s6 =	simm.s32 $_tile_overlayer_lowered  }
0xa1: {  	s22 =	simm.s32 $0x1BFF;
	s21 =	sshll.u32 s6, $0x1;
	s3 =	sadd.s32 s19, s18  }
0xa2: {  	s7 =	simm.s32 $0x0;
	s20 =	sshll.u32 s5, $0x1;
	s5 =	sadd.s32 s21, s3  }
0xa3: {  	[timem:s7], [sflag:s22] =	dma.local [hbm:s5], s20  }
0xa4: {  	_ =	swait.ge [sflag:s22], s20  }
0xa5: {  	s4 =	ssub.s32 $0x0, s20;
	[sflag:s22] =	ssyncset.done $0x0  }
0xa6: {  	[sflag:s22] =	ssyncadd.s32 s4;
	_ =	sdelay $0x1  }
0xa7: {  	s23 =	simm.s32 $0x1B8B  }
0xa8: {  	_ =	swait.ge [sflag:s23], $0x1  }
0xa9: {  	[sflag:s23] =	ssyncset.done $0x0  }
0xaa: {  	s25 =	simm.s32 $0x1B8E;
	s24 =	sld [smem:$0x3FFE];
	[sflag:s23] =	ssyncadd.s32 $0xFFFFFFFF  }
0xab: {  	s26 =	simm.s32 $execute0_lowered;
	[smem:$0x3FD2] =	sst s25  }
0xac: {  	s5 =	sshll.u32 s26, $0x1;
	_ =	strace $0x80000046;
	[dreg:$0x1] =	wrdreg $0xFFFFFFFF  }
0xad: {  	s28 =	simm.s32 $_size_execute0_lowered;
	s3 =	sadd.s32 s3, s5;
	[dreg:$0x0] =	wrdreg $0x0  }
0xae: {  	s5 =	sshll.u32 s28, $0x1;
	[dreg:$0x2] =	wrdreg s3  }
0xaf: {  	[dreg:$0x3] =	wrdreg s5  }
0xb0: {  	[dreg:$0x4] =	wrdreg $0xC0  }
0xb1: {  	_ =	task [dreg:s7], $0x5FFFF  }
0xb2: {  	[dreg:$0x1] =	wrdreg $0xFFFFFFFF  }
0xb3: {  	[dreg:$0x0] =	wrdreg $0x60  }
0xb4: {  	[dreg:$0x2] =	wrdreg s24  }
0xb5: {  	[dreg:$0x3] =	wrdreg s16  }
0xb6: {  	[dreg:$0x4] =	wrdreg $0x9  }
0xb7: {  	_ =	task.clear_ibuf [dreg:s7], $0x5FFFF;
	_ =	strace $0x90000046  }
0xb8: {  	s29 =	simm.s32 $0x9;
	_ =	strace $0x80000048  }
0xb9: {  	_ =	swait.ge [sflag:s29], $0x1  }
0xba: {  	[sflag:s29] =	ssyncadd.s32 $0xFFFFFFFF  }
0xbb: {  	_ =	strace $0x90000048  }
0xbc: {  	_ =	sfence  }
0xbd: {  	s30 =	sld [smem:$0x0];
	_ =	sdelay $0x2  }
0xbe: {  	s31 =	sshll.u32 s1, $0xD;
	s1 =	sshrl.u32 s1, $0x2  }
0xbf: {  	s3 =	sand.u32 $0x4000, s31;
	s1 =	sadd.s32 s1, s30  }
0xc0: {  	s0 =	sor.u32 s3, s0;
	s1 =	sshll.u32 s1, $0x11  }
0xc1: {  	s0 =	sor.u32 s1, s0  }
0xc2: {  	s0 =	sadd.s32 $0x8F2B, s0  }
0xc3: {  	[sflag:s0] =	ssyncadd.remote.s32 $0x1  }
0xc4: {  	_ =	sfence.sel $0xFFFF  }
0xc5: {  	[dreg:$0x0] =	wrdreg $0xFFFFFFFF;
	(pc) =	sbr.abs _section_cstart, $3  }
0xc6: {  	[dreg:$0x1] =	wrdreg $0xFFFFFFFF  }
0xc7: {  	_ =	task.clear_ibuf [dreg:s7], $0x2FFFF;
	_ =	strace $0x9FFFFFFF  }
0xc8: {  	(tm) =	ssettm $0x7FFFFFFF  }
0xc9: {  	_ =	shalt  }
tec
execute0_lowered:
.L_overlay_start_1:
0x0: {  	(tag) =	ssettag $0x1  }
0x1: {  	s4 =	rddreg [dreg:$0x0]  }
0x2: {  	s1 =	srdreg.scid;
	s0 =	stileid.u32  }
0x3: {  	s5 =	rddreg [dreg:$0x1];
	s3 =	sand.u32 $0x1, s1;
	s6 =	sshll.u32 s0, $0x1  }
0x4: {  	s2 =	simm.s32 $0x0;
	s1 =	rddreg [dreg:$0x2];
	s6 =	sor.u32 s3, s6  }
0x5: {  	[smem:$0x7FF] =	sst s2;
	s7 =	smul.u32 $0xC8, s6  }
0x6: {  	s11 =	sadd.s32 $0x7B0800, s4;
	s8 =	ssub.s32 $0x2, s3;
	s9 =	smul.u32 $0x32000, s6  }
0x7: {  	_ =	strace $0x80000047;
	s10 =	sshrl.u32 s8, $0x1;
	s6 =	smul.u32 $0x6400, s6  }
0x8: {  	s3 =	sadd.s32 $0x800, s4;
	s8 =	ssub.s32 s8, s10;
	s10 =	simm.s32 $0x680  }
0x9: {  	s9 =	sshrl.u32 s9, $0x3;
	s4 =	sadd.s32 s5, s7;
	s5 =	sadd.s32 s11, s6  }
0xa: {  	s7 =	smax.u32 s8, $0x1;
	s8 =	simm.s32 $0x2;
	s31 =	sadd.s32 s11, s9  }
0xb: {  	s9 =	simm.s32 $0x320;
	s11 =	simm.s32 $0x1;
	s6 =	sadd.s32 $0x3200, s31  }
.LBB2_1:
0xc: {  	[tilespmem:s2], [sflag:$0x2] =	stream.linear.gather [hbm4b:s4+s2], $0x640, $0x38;
	[tilespmem:$0x19680] =	vst v63  }
0xd: {  	_ =	swait.ge [sflag:s8], $0x640  }
0xe: {  	[sflag:s8] =	ssyncset.done $0x0  }
0xf: {  	[sflag:s8] =	ssyncadd.s32 $0xFFFFF9C0  }
0x10: {  	v0 =	vld [tilespmem:$0x0]  }
0x11: {  	v1 =	vld [tilespmem:$0x10]  }
0x12: {  	v2 =	vld [tilespmem:$0x20]  }
0x13: {  	v3 =	vld [tilespmem:$0x30]  }
0x14: {  	v5 =	vld [tilespmem:$0x40]  }
0x15: {  	v7 =	vld [tilespmem:$0x50]  }
0x16: {  	v35 =	vld [tilespmem:$0x60]  }
0x17: {  	v9 =	vld [tilespmem:$0x70]  }
0x18: {  	v10 =	vld [tilespmem:$0x80]  }
0x19: {  	v39 =	vld [tilespmem:$0x90]  }
0x1a: {  	v12 =	vld [tilespmem:$0xA0]  }
0x1b: {  	v13 =	vld [tilespmem:$0xB0]  }
0x1c: {  	v43 =	vld [tilespmem:$0xC0]  }
0x1d: {  	v15 =	vld [tilespmem:$0xD0]  }
0x1e: {  	v16 =	vld [tilespmem:$0xE0]  }
0x1f: {  	v47 =	vld [tilespmem:$0xF0];
	v4 =	vshrl.u32 v0, $0x1;
	v6 =	vshrl.u32 v1, $0x1;
	v0 =	vand.u32 $0xFFF, v0  }
0x20: {  	v18 =	vld [tilespmem:$0x100];
	v1 =	vand.u32 $0xFFF, v1;
	v34 =	vshrl.u32 v2, $0x1;
	v2 =	vand.u32 $0xFFF, v2  }
0x21: {  	v19 =	vld [tilespmem:$0x110];
	v8 =	vshrl.u32 v3, $0x1;
	v37 =	vshrl.u32 v5, $0x1;
	v3 =	vand.u32 $0xFFF, v3  }
0x22: {  	v51 =	vld [tilespmem:$0x120];
	v5 =	vand.u32 $0xFFF, v5;
	v38 =	vshrl.u32 v7, $0x1;
	v7 =	vand.u32 $0xFFF, v7  }
0x23: {  	v21 =	vld [tilespmem:$0x130];
	v11 =	vshrl.u32 v35, $0x1;
	v41 =	vshrl.u32 v9, $0x1;
	v9 =	vand.u32 $0xFFF, v9  }
0x24: {  	v22 =	vld [tilespmem:$0x140];
	v42 =	vshrl.u32 v10, $0x1;
	v10 =	vand.u32 $0xFFF, v10;
	v14 =	vshrl.u32 v39, $0x1  }
0x25: {  	v55 =	vld [tilespmem:$0x150];
	v45 =	vshrl.u32 v12, $0x1;
	v12 =	vand.u32 $0xFFF, v12;
	v46 =	vshrl.u32 v13, $0x1  }
0x26: {  	v24 =	vld [tilespmem:$0x160];
	v13 =	vand.u32 $0xFFF, v13;
	v17 =	vshrl.u32 v43, $0x1;
	v49 =	vshrl.u32 v15, $0x1  }
0x27: {  	v25 =	vld [tilespmem:$0x170];
	v15 =	vand.u32 $0xFFF, v15;
	v50 =	vshrl.u32 v16, $0x1;
	v16 =	vand.u32 $0xFFF, v16  }
0x28: {  	v59 =	vld [tilespmem:$0x180];
	v20 =	vshrl.u32 v47, $0x1;
	v53 =	vshrl.u32 v18, $0x1;
	v18 =	vand.u32 $0xFFF, v18  }
0x29: {  	v54 =	vshrl.u32 v19, $0x1;
	v19 =	vand.u32 $0xFFF, v19;
	v23 =	vshrl.u32 v51, $0x1  }
0x2a: {  	v57 =	vshrl.u32 v21, $0x1;
	v21 =	vand.u32 $0xFFF, v21;
	v58 =	vshrl.u32 v22, $0x1  }
0x2b: {  	v27 =	vld [tilespmem:$0x190];
	v22 =	vand.u32 $0xFFF, v22;
	v26 =	vshrl.u32 v55, $0x1;
	v61 =	vshrl.u32 v24, $0x1  }
0x2c: {  	v28 =	vld [tilespmem:$0x1A0];
	v24 =	vand.u32 $0xFFF, v24;
	v62 =	vshrl.u32 v25, $0x1;
	v25 =	vand.u32 $0xFFF, v25  }
0x2d: {  	v63 =	vld [tilespmem:$0x1B0];
	v29 =	vshrl.u32 v59, $0x1;
	v4 =	vand.u32 $0x7FFFF000, v4;
	v6 =	vand.u32 $0x7FFFF000, v6  }
0x2e: {  	v31 =	vld [tilespmem:$0x1D0];
	v36 =	vand.u32 $0x7FFFF000, v8;
	v8 =	vand.u32 $0x7FFFF000, v37;
	v40 =	vand.u32 $0x7FFFF000, v11  }
0x2f: {  	v32 =	vld [tilespmem:$0x1F0];
	v11 =	vand.u32 $0x7FFFF000, v41;
	v44 =	vand.u32 $0x7FFFF000, v14;
	v14 =	vand.u32 $0x7FFFF000, v45  }
0x30: {  	v48 =	vand.u32 $0x7FFFF000, v17;
	v17 =	vand.u32 $0x7FFFF000, v49;
	v52 =	vand.u32 $0x7FFFF000, v20  }
0x31: {  	v20 =	vand.u32 $0x7FFFF000, v53;
	v56 =	vand.u32 $0x7FFFF000, v23;
	v23 =	vand.u32 $0x7FFFF000, v57  }
0x32: {  	v60 =	vand.u32 $0x7FFFF000, v26;
	v26 =	vand.u32 $0x7FFFF000, v61;
	v37 =	vshrl.u32 v27, $0x1  }
0x33: {  	v27 =	vand.u32 $0xFFF, v27;
	v41 =	vand.u32 $0xFFF, v28;
	v45 =	vand.u32 $0xFFF, v63  }
0x34: {  	v49 =	vshrl.u32 v31, $0x1;
	v57 =	vand.u32 $0xFFF, v32;
	v0 =	vor.u32 v0, v4  }
0x35: {  	v1 =	vor.u32 v1, v6;
	v4 =	vand.u32 $0x7FFFF000, v34;
	v3 =	vor.u32 v3, v36  }
0x36: {  	v30 =	vld [tilespmem:$0x1C0];
	v6 =	vand.u32 $0xFFF, v35;
	v36 =	vand.u32 $0x7FFFF000, v29;
	v29 =	vand.u32 $0x7FFFF000, v37  }
0x37: {  	v2 =	vor.u32 v2, v4;
	v4 =	vor.u32 v5, v8;
	v5 =	vand.u32 $0x7FFFF000, v38  }
0x38: {  	v6 =	vor.u32 v6, v40;
	v8 =	vand.u32 $0xFFF, v39;
	v38 =	vshrl.u32 v28, $0x1  }
0x39: {  	[tilespmem:$0x30] =	vst v3;
	v3 =	vand.u32 $0x7FFFF000, v49;
	v5 =	vor.u32 v7, v5;
	v7 =	vor.u32 v9, v11  }
0x3a: {  	v9 =	vand.u32 $0x7FFFF000, v42;
	v8 =	vor.u32 v8, v44;
	v11 =	vand.u32 $0xFFF, v43  }
0x3b: {  	v40 =	vand.u32 $0x7FFFF000, v38;
	v42 =	vshrl.u32 v63, $0x1;
	v44 =	vshrl.u32 v30, $0x1  }
0x3c: {  	v53 =	vld [tilespmem:$0x220];
	v9 =	vor.u32 v10, v9;
	v10 =	vor.u32 v12, v14;
	v12 =	vand.u32 $0x7FFFF000, v46  }
0x3d: {  	[tilespmem:$0x0] =	vst v0;
	v11 =	vor.u32 v11, v48;
	v14 =	vand.u32 $0xFFF, v47;
	v0 =	vor.u32 v41, v40  }
0x3e: {  	v43 =	vand.u32 $0x7FFFF000, v42;
	v46 =	vand.u32 $0x7FFFF000, v44;
	v47 =	vand.u32 $0xFFF, v30  }
0x3f: {  	v12 =	vor.u32 v13, v12;
	v13 =	vor.u32 v15, v17;
	v15 =	vand.u32 $0x7FFFF000, v50  }
0x40: {  	[tilespmem:$0x10] =	vst v1;
	v14 =	vor.u32 v14, v52;
	v17 =	vand.u32 $0xFFF, v51;
	v1 =	vor.u32 v45, v43  }
0x41: {  	v39 =	vld [tilespmem:$0x1E0];
	[tilespmem:$0x20] =	vst v2;
	v2 =	vor.u32 v47, v46;
	v51 =	vand.u32 $0xFFF, v31;
	v33 =	vshrl.u32 v53, $0x1  }
0x42: {  	v35 =	vand.u32 $0xFFF, v53;
	v15 =	vor.u32 v16, v15;
	v16 =	vor.u32 v18, v20  }
0x43: {  	v18 =	vand.u32 $0x7FFFF000, v54;
	v17 =	vor.u32 v17, v56;
	v20 =	vand.u32 $0xFFF, v55  }
0x44: {  	v63 =	vld [tilespmem:$0x250];
	[tilespmem:$0x80] =	vst v9;
	v3 =	vor.u32 v51, v3;
	v55 =	vshrl.u32 v32, $0x1;
	v9 =	vand.u32 $0x7FFFF000, v33  }
0x45: {  	v38 =	vld [tilespmem:$0x270];
	v18 =	vor.u32 v19, v18;
	v19 =	vor.u32 v21, v23;
	v21 =	vand.u32 $0x7FFFF000, v58  }
0x46: {  	v20 =	vor.u32 v20, v60;
	v23 =	vand.u32 $0xFFF, v59;
	v52 =	vshrl.u32 v39, $0x1  }
0x47: {  	v48 =	vld [tilespmem:$0x200];
	[tilespmem:$0x50] =	vst v5;
	v56 =	vand.u32 $0xFFF, v39;
	v5 =	vand.u32 $0x7FFFF000, v55;
	v9 =	vor.u32 v35, v9  }
0x48: {  	[tilespmem:$0x40] =	vst v4;
	v41 =	vld [tilespmem:$0x280];
	v21 =	vor.u32 v22, v21;
	v22 =	vor.u32 v24, v26;
	v24 =	vand.u32 $0x7FFFF000, v62  }
0x49: {  	v28 =	vld [tilespmem:$0x300];
	[tilespmem:$0x60] =	vst v6;
	v23 =	vor.u32 v23, v36;
	v54 =	vand.u32 $0x7FFFF000, v52;
	v5 =	vor.u32 v57, v5  }
0x4a: {  	[tilespmem:$0x70] =	vst v7;
	v50 =	vld [tilespmem:$0x210];
	v43 =	vshrl.u32 v63, $0x1;
	v44 =	vand.u32 $0xFFF, v63;
	v49 =	vshrl.u32 v38, $0x1  }
0x4b: {  	v45 =	vld [tilespmem:$0x290];
	[tilespmem:$0xB0] =	vst v12;
	v12 =	vand.u32 $0xFFF, v38;
	v24 =	vor.u32 v25, v24;
	v25 =	vor.u32 v27, v29  }
0x4c: {  	[tilespmem:$0x90] =	vst v8;
	v47 =	vld [tilespmem:$0x2A0];
	v4 =	vor.u32 v56, v54;
	v59 =	vshrl.u32 v48, $0x1;
	v61 =	vand.u32 $0xFFF, v48  }
0x4d: {  	v30 =	vld [tilespmem:$0x310];
	[tilespmem:$0xD0] =	vst v13;
	v13 =	vand.u32 $0x7FFFF000, v43;
	v51 =	vand.u32 $0x7FFFF000, v49;
	v52 =	vshrl.u32 v41, $0x1  }
0x4e: {  	[tilespmem:$0xA0] =	vst v10;
	v53 =	vand.u32 $0xFFF, v41;
	v41 =	vshrl.u32 v28, $0x1;
	v6 =	vand.u32 $0x7FFFF000, v59  }
0x4f: {  	[tilespmem:$0xC0] =	vst v11;
	v58 =	vld [tilespmem:$0x230];
	v62 =	vshrl.u32 v50, $0x1;
	v34 =	vand.u32 $0xFFF, v50;
	v11 =	vor.u32 v44, v13  }
0x50: {  	v60 =	vld [tilespmem:$0x240];
	[tilespmem:$0x100] =	vst v16;
	v16 =	vand.u32 $0x7FFFF000, v52;
	v12 =	vor.u32 v12, v51;
	v55 =	vshrl.u32 v45, $0x1  }
0x51: {  	[tilespmem:$0xF0] =	vst v14;
	v57 =	vand.u32 $0xFFF, v45;
	v14 =	vand.u32 $0xFFF, v47;
	v43 =	vand.u32 $0x7FFFF000, v41  }
0x52: {  	[tilespmem:$0xE0] =	vst v15;
	v36 =	vld [tilespmem:$0x260];
	v44 =	vshrl.u32 v30, $0x1;
	v45 =	vand.u32 $0xFFF, v28;
	v6 =	vor.u32 v61, v6  }
0x53: {  	[tilespmem:$0x120] =	vst v17;
	v63 =	vld [tilespmem:$0x2F0];
	v32 =	vand.u32 $0x7FFFF000, v62;
	v15 =	vor.u32 v53, v16;
	v16 =	vand.u32 $0x7FFFF000, v55  }
0x54: {  	[tilespmem:$0x1D0] =	vst v3;
	v38 =	vld [tilespmem:$0x330];
	v17 =	vand.u32 $0x7FFFF000, v44;
	v3 =	vor.u32 v45, v43;
	v8 =	vor.u32 v34, v32  }
0x55: {  	[tilespmem:$0x1A0] =	vst v0;
	v37 =	vshrl.u32 v58, $0x1;
	v39 =	vand.u32 $0xFFF, v58;
	v40 =	vshrl.u32 v60, $0x1  }
0x56: {  	[tilespmem:$0x1B0] =	vst v1;
	v54 =	vld [tilespmem:$0x2C0];
	v7 =	vand.u32 $0xFFF, v60;
	v58 =	vshrl.u32 v47, $0x1;
	v16 =	vor.u32 v57, v16  }
0x57: {  	[tilespmem:$0x1C0] =	vst v2;
	v56 =	vld [tilespmem:$0x2D0];
	v10 =	vand.u32 $0x7FFFF000, v37;
	v42 =	vand.u32 $0x7FFFF000, v40;
	v46 =	vshrl.u32 v36, $0x1  }
0x58: {  	[tilespmem:$0x110] =	vst v18;
	v48 =	vand.u32 $0xFFF, v36;
	v60 =	vand.u32 $0x7FFFF000, v58;
	v37 =	vshrl.u32 v63, $0x1  }
0x59: {  	[tilespmem:$0x130] =	vst v19;
	v50 =	vld [tilespmem:$0x2B0];
	v40 =	vand.u32 $0xFFF, v63;
	v51 =	vshrl.u32 v38, $0x1;
	v55 =	vand.u32 $0xFFF, v38  }
0x5a: {  	[tilespmem:$0x150] =	vst v20;
	v59 =	vld [tilespmem:$0x2E0];
	v10 =	vor.u32 v39, v10;
	v7 =	vor.u32 v7, v42;
	v13 =	vand.u32 $0x7FFFF000, v46  }
0x5b: {  	[tilespmem:$0x220] =	vst v9;
	v52 =	vld [tilespmem:$0x370];
	v14 =	vor.u32 v14, v60;
	v27 =	vshrl.u32 v54, $0x1;
	v18 =	vand.u32 $0xFFF, v54  }
0x5c: {  	[tilespmem:$0x140] =	vst v21;
	v29 =	vshrl.u32 v56, $0x1;
	v33 =	vand.u32 $0xFFF, v56;
	v39 =	vand.u32 $0x7FFFF000, v37  }
0x5d: {  	[tilespmem:$0x160] =	vst v22;
	v49 =	vld [tilespmem:$0x360];
	v46 =	vand.u32 $0xFFF, v30;
	v53 =	vand.u32 $0x7FFFF000, v51;
	v13 =	vor.u32 v48, v13  }
0x5e: {  	[tilespmem:$0x180] =	vst v23;
	v47 =	vld [tilespmem:$0x350];
	v61 =	vshrl.u32 v50, $0x1;
	v62 =	vand.u32 $0xFFF, v50;
	v31 =	vand.u32 $0x7FFFF000, v29  }
0x5f: {  	[tilespmem:$0x1E0] =	vst v4;
	v41 =	vld [tilespmem:$0x3F0];
	v32 =	vshrl.u32 v59, $0x1;
	v35 =	vand.u32 $0xFFF, v59;
	v2 =	vor.u32 v40, v39  }
0x60: {  	[tilespmem:$0x200] =	vst v6;
	v57 =	vld [tilespmem:$0x380];
	v4 =	vor.u32 v46, v17;
	v6 =	vor.u32 v55, v53;
	v26 =	vshrl.u32 v52, $0x1  }
0x61: {  	[tilespmem:$0x1F0] =	vst v5;
	v36 =	vld [tilespmem:$0x320];
	v28 =	vand.u32 $0xFFF, v52;
	v20 =	vand.u32 $0x7FFFF000, v61;
	v34 =	vand.u32 $0x7FFFF000, v32  }
0x62: {  	[tilespmem:$0x250] =	vst v11;
	v44 =	vld [tilespmem:$0x400];
	v0 =	vor.u32 v33, v31;
	v11 =	vand.u32 $0x7FFFF000, v26;
	v19 =	vor.u32 v62, v20  }
0x63: {  	[tilespmem:$0x170] =	vst v24;
	v63 =	vld [tilespmem:$0x3A0];
	v20 =	vand.u32 $0x7FFFF000, v27;
	v1 =	vor.u32 v35, v34;
	v58 =	vshrl.u32 v47, $0x1  }
0x64: {  	[tilespmem:$0x190] =	vst v25;
	v42 =	vld [tilespmem:$0x340];
	v61 =	vand.u32 $0xFFF, v47;
	v62 =	vshrl.u32 v49, $0x1;
	v27 =	vand.u32 $0xFFF, v49  }
0x65: {  	[tilespmem:$0x270] =	vst v12;
	v11 =	vor.u32 v28, v11;
	v30 =	vshrl.u32 v57, $0x1;
	v32 =	vand.u32 $0xFFF, v57  }
0x66: {  	[tilespmem:$0x280] =	vst v15;
	v57 =	vshrl.u32 v41, $0x1;
	v18 =	vor.u32 v18, v20;
	v48 =	vshrl.u32 v36, $0x1  }
0x67: {  	[tilespmem:$0x300] =	vst v3;
	v51 =	vld [tilespmem:$0x410];
	v50 =	vand.u32 $0xFFF, v36;
	v60 =	vand.u32 $0x7FFFF000, v58;
	v25 =	vand.u32 $0x7FFFF000, v62  }
0x68: {  	[tilespmem:$0x210] =	vst v8;
	v59 =	vld [tilespmem:$0x390];
	v12 =	vand.u32 $0x7FFFF000, v30;
	v36 =	vshrl.u32 v63, $0x1;
	v38 =	vand.u32 $0xFFF, v63  }
0x69: {  	[tilespmem:$0x290] =	vst v16;
	v29 =	vld [tilespmem:$0x3B0];
	v62 =	vand.u32 $0xFFF, v44;
	v5 =	vand.u32 $0x7FFFF000, v48;
	v54 =	vshrl.u32 v42, $0x1  }
0x6a: {  	[tilespmem:$0x240] =	vst v7;
	v39 =	vld [tilespmem:$0x3E0];
	v56 =	vand.u32 $0xFFF, v42;
	v7 =	vor.u32 v61, v60;
	v9 =	vor.u32 v27, v25  }
0x6b: {  	[tilespmem:$0x230] =	vst v10;
	v12 =	vor.u32 v32, v12;
	v37 =	vand.u32 $0x7FFFF000, v36;
	v60 =	vshrl.u32 v44, $0x1  }
0x6c: {  	[tilespmem:$0x2A0] =	vst v14;
	v31 =	vld [tilespmem:$0x3C0];
	v61 =	vand.u32 $0xFFF, v41;
	v22 =	vshrl.u32 v51, $0x1;
	v24 =	vand.u32 $0xFFF, v51  }
0x6d: {  	[tilespmem:$0x260] =	vst v13;
	v5 =	vor.u32 v50, v5;
	v8 =	vand.u32 $0x7FFFF000, v54;
	v33 =	vshrl.u32 v59, $0x1  }
0x6e: {  	v23 =	vld [tilespmem:$0x450];
	[tilespmem:$0x2F0] =	vst v2;
	v10 =	vand.u32 $0xFFF, v59;
	v14 =	vor.u32 v38, v37;
	v40 =	vshrl.u32 v29, $0x1  }
0x6f: {  	[tilespmem:$0x310] =	vst v4;
	v26 =	vld [tilespmem:$0x460];
	v42 =	vand.u32 $0xFFF, v29;
	v53 =	vshrl.u32 v39, $0x1;
	v59 =	vand.u32 $0x7FFFF000, v57  }
0x70: {  	[tilespmem:$0x330] =	vst v6;
	v13 =	vand.u32 $0x7FFFF000, v60;
	v6 =	vand.u32 $0x7FFFF000, v22;
	v8 =	vor.u32 v56, v8  }
0x71: {  	v34 =	vld [tilespmem:$0x3D0];
	[tilespmem:$0x2D0] =	vst v0;
	v35 =	vand.u32 $0x7FFFF000, v33;
	v15 =	vand.u32 $0x7FFFF000, v40;
	v43 =	vshrl.u32 v31, $0x1  }
0x72: {  	[tilespmem:$0x2B0] =	vst v19;
	v48 =	vand.u32 $0xFFF, v31;
	v55 =	vand.u32 $0x7FFFF000, v53;
	v56 =	vand.u32 $0xFFF, v39  }
0x73: {  	[tilespmem:$0x2E0] =	vst v1;
	v58 =	vld [tilespmem:$0x430];
	v4 =	vor.u32 v61, v59;
	v21 =	vor.u32 v62, v13;
	v6 =	vor.u32 v24, v6  }
0x74: {  	v63 =	vld [tilespmem:$0x440];
	[tilespmem:$0x370] =	vst v11;
	v38 =	vshrl.u32 v26, $0x1;
	v13 =	vand.u32 $0xFFF, v23;
	v39 =	vand.u32 $0xFFF, v26  }
0x75: {  	v20 =	vld [tilespmem:$0x510];
	[tilespmem:$0x2C0] =	vst v18;
	v10 =	vor.u32 v10, v35;
	v45 =	vor.u32 v42, v15;
	v46 =	vand.u32 $0x7FFFF000, v43  }
0x76: {  	v36 =	vld [tilespmem:$0x490];
	[tilespmem:$0x350] =	vst v7;
	v47 =	vshrl.u32 v34, $0x1;
	v50 =	vand.u32 $0xFFF, v34;
	v3 =	vor.u32 v56, v55  }
0x77: {  	v44 =	vld [tilespmem:$0x4B0];
	[tilespmem:$0x380] =	vst v12;
	v35 =	vshrl.u32 v23, $0x1;
	v12 =	vand.u32 $0x7FFFF000, v38;
	v49 =	vand.u32 $0x7FFFF000, v47  }
0x78: {  	v18 =	vld [tilespmem:$0x500];
	[tilespmem:$0x360] =	vst v9;
	v1 =	vor.u32 v48, v46;
	v28 =	vshrl.u32 v58, $0x1;
	v30 =	vand.u32 $0xFFF, v58  }
0x79: {  	v54 =	vld [tilespmem:$0x420];
	[tilespmem:$0x320] =	vst v5;
	v32 =	vshrl.u32 v63, $0x1;
	v34 =	vand.u32 $0xFFF, v63;
	v37 =	vand.u32 $0x7FFFF000, v35  }
0x7a: {  	v57 =	vld [tilespmem:$0x4E0];
	[tilespmem:$0x340] =	vst v8;
	v42 =	vor.u32 v39, v12;
	v52 =	vor.u32 v50, v49;
	v8 =	vand.u32 $0x7FFFF000, v28  }
0x7b: {  	v60 =	vld [tilespmem:$0x4F0];
	[tilespmem:$0x3A0] =	vst v14;
	v9 =	vand.u32 $0x7FFFF000, v32;
	v41 =	vor.u32 v13, v37;
	v50 =	vshrl.u32 v36, $0x1  }
0x7c: {  	v16 =	vld [tilespmem:$0x5C0];
	[tilespmem:$0x3F0] =	vst v4;
	v53 =	vand.u32 $0xFFF, v36;
	v59 =	vshrl.u32 v44, $0x1;
	v63 =	vand.u32 $0xFFF, v44  }
0x7d: {  	v31 =	vld [tilespmem:$0x470];
	[tilespmem:$0x400] =	vst v21;
	v32 =	vshrl.u32 v18, $0x1;
	v35 =	vand.u32 $0xFFF, v18;
	v36 =	vshrl.u32 v20, $0x1  }
0x7e: {  	v33 =	vld [tilespmem:$0x480];
	[tilespmem:$0x410] =	vst v6;
	v25 =	vshrl.u32 v54, $0x1;
	v29 =	vand.u32 $0xFFF, v54;
	v8 =	vor.u32 v30, v8  }
0x7f: {  	v40 =	vld [tilespmem:$0x4A0];
	v9 =	vor.u32 v34, v9;
	[tilespmem:$0x3D0] =	vst v52;
	v52 =	vand.u32 $0x7FFFF000, v50;
	v61 =	vand.u32 $0x7FFFF000, v59  }
0x80: {  	[tilespmem:$0x390] =	vst v10;
	v22 =	vshrl.u32 v57, $0x1;
	v26 =	vshrl.u32 v60, $0x1;
	v28 =	vand.u32 $0xFFF, v60  }
0x81: {  	[tilespmem:$0x3B0] =	vst v45;
	v34 =	vand.u32 $0x7FFFF000, v32;
	v38 =	vand.u32 $0x7FFFF000, v36;
	v32 =	vshrl.u32 v16, $0x1  }
0x82: {  	[tilespmem:$0x3E0] =	vst v3;
	v27 =	vand.u32 $0x7FFFF000, v25;
	v43 =	vshrl.u32 v31, $0x1;
	v46 =	vand.u32 $0xFFF, v31  }
0x83: {  	v23 =	vld [tilespmem:$0x520];
	[tilespmem:$0x3C0] =	vst v1;
	v47 =	vshrl.u32 v33, $0x1;
	v51 =	vand.u32 $0xFFF, v33;
	v55 =	vor.u32 v53, v52  }
0x84: {  	[tilespmem:$0x460] =	vst v42;
	v56 =	vshrl.u32 v40, $0x1;
	v58 =	vand.u32 $0xFFF, v40;
	v5 =	vor.u32 v63, v61  }
0x85: {  	v48 =	vld [tilespmem:$0x4C0];
	[tilespmem:$0x440] =	vst v9;
	v25 =	vand.u32 $0x7FFFF000, v22;
	v9 =	vand.u32 $0x7FFFF000, v26;
	v40 =	vand.u32 $0xFFF, v20  }
0x86: {  	[tilespmem:$0x450] =	vst v41;
	v7 =	vor.u32 v29, v27;
	v45 =	vand.u32 $0x7FFFF000, v43;
	v49 =	vand.u32 $0x7FFFF000, v47  }
0x87: {  	v37 =	vld [tilespmem:$0x550];
	[tilespmem:$0x430] =	vst v8;
	v4 =	vand.u32 $0x7FFFF000, v56;
	v27 =	vand.u32 $0xFFF, v57;
	v31 =	vor.u32 v28, v9  }
0x88: {  	v54 =	vld [tilespmem:$0x4D0];
	[tilespmem:$0x490] =	vst v55;
	v39 =	vshrl.u32 v23, $0x1;
	v42 =	vand.u32 $0xFFF, v23;
	v3 =	vor.u32 v40, v38  }
0x89: {  	[tilespmem:$0x4B0] =	vst v5;
	v1 =	vor.u32 v46, v45;
	v2 =	vor.u32 v51, v49;
	v4 =	vor.u32 v58, v4  }
0x8a: {  	v33 =	vld [tilespmem:$0x540];
	v62 =	vshrl.u32 v48, $0x1;
	[tilespmem:$0x420] =	vst v7;
	v17 =	vand.u32 $0xFFF, v48;
	v30 =	vor.u32 v27, v25  }
0x8b: {  	v20 =	vld [tilespmem:$0x5D0];
	v41 =	vand.u32 $0x7FFFF000, v39;
	v6 =	vand.u32 $0x7FFFF000, v62;
	[tilespmem:$0x480] =	vst v2;
	v2 =	vor.u32 v35, v34  }
0x8c: {  	v29 =	vld [tilespmem:$0x530];
	[tilespmem:$0x4F0] =	vst v31;
	v44 =	vor.u32 v42, v41;
	v52 =	vshrl.u32 v37, $0x1;
	v34 =	vand.u32 $0x7FFFF000, v32  }
0x8d: {  	v43 =	vld [tilespmem:$0x560];
	[tilespmem:$0x510] =	vst v3;
	v35 =	vand.u32 $0xFFF, v16;
	v6 =	vor.u32 v17, v6;
	v19 =	vshrl.u32 v54, $0x1  }
0x8e: {  	v55 =	vld [tilespmem:$0x590];
	[tilespmem:$0x470] =	vst v1;
	v21 =	vand.u32 $0xFFF, v54;
	v54 =	vand.u32 $0xFFF, v37;
	v38 =	vor.u32 v35, v34  }
0x8f: {  	v46 =	vld [tilespmem:$0x570];
	[tilespmem:$0x4A0] =	vst v4;
	v7 =	vand.u32 $0x7FFFF000, v19;
	v48 =	vshrl.u32 v33, $0x1;
	v53 =	vand.u32 $0xFFF, v33  }
0x90: {  	v49 =	vld [tilespmem:$0x580];
	[tilespmem:$0x4C0] =	vst v6;
	v6 =	vand.u32 $0x7FFFF000, v52;
	v36 =	vshrl.u32 v20, $0x1;
	v41 =	vand.u32 $0xFFF, v20  }
0x91: {  	[tilespmem:$0x4E0] =	vst v30;
	v24 =	vor.u32 v21, v7;
	v45 =	vshrl.u32 v29, $0x1;
	v47 =	vand.u32 $0xFFF, v29  }
0x92: {  	v58 =	vld [tilespmem:$0x5A0];
	[tilespmem:$0x500] =	vst v2;
	v51 =	vand.u32 $0x7FFFF000, v48;
	v56 =	vor.u32 v54, v6;
	v57 =	vshrl.u32 v43, $0x1  }
0x93: {  	[tilespmem:$0x520] =	vst v44;
	v60 =	vand.u32 $0xFFF, v43;
	v19 =	vshrl.u32 v55, $0x1;
	v22 =	vand.u32 $0xFFF, v55  }
0x94: {  	[tilespmem:$0x5C0] =	vst v38;
	v39 =	vand.u32 $0x7FFFF000, v36;
	v5 =	vand.u32 $0x7FFFF000, v45;
	v1 =	vor.u32 v53, v51  }
0x95: {  	v62 =	vld [tilespmem:$0x5B0];
	[tilespmem:$0x4D0] =	vst v24;
	v59 =	vand.u32 $0x7FFFF000, v57;
	v61 =	vshrl.u32 v46, $0x1;
	v13 =	vshrl.u32 v49, $0x1  }
0x96: {  	v14 =	vand.u32 $0xFFF, v46;
	v15 =	vand.u32 $0xFFF, v49;
	v21 =	vand.u32 $0x7FFFF000, v19;
	[tilespmem:$0x550] =	vst v56  }
0x97: {  	v37 =	vld [tilespmem:$0x610];
	v23 =	vshrl.u32 v58, $0x1;
	v27 =	vand.u32 $0xFFF, v58;
	v0 =	vor.u32 v41, v39;
	[tilespmem:$0x540] =	vst v1  }
0x98: {  	v33 =	vld [tilespmem:$0x600];
	v50 =	vor.u32 v47, v5;
	v2 =	vor.u32 v60, v59;
	v63 =	vand.u32 $0x7FFFF000, v61;
	[tilespmem:$0x5D0] =	vst v0  }
0x99: {  	v29 =	vld [tilespmem:$0x5F0];
	v6 =	vand.u32 $0x7FFFF000, v13;
	v1 =	vor.u32 v22, v21;
	v25 =	vand.u32 $0x7FFFF000, v23;
	[tilespmem:$0x530] =	vst v50  }
0x9a: {  	v43 =	vld [tilespmem:$0x620];
	v26 =	vshrl.u32 v62, $0x1;
	v28 =	vand.u32 $0xFFF, v62;
	v17 =	vor.u32 v14, v63;
	[tilespmem:$0x560] =	vst v2  }
0x9b: {  	v24 =	vld [tilespmem:$0x5E0];
	v18 =	vor.u32 v15, v6;
	v5 =	vand.u32 $0x7FFFF000, v26;
	v30 =	vor.u32 v27, v25;
	[tilespmem:$0x590] =	vst v1  }
0x9c: {  	v52 =	vshrl.u32 v37, $0x1;
	v54 =	vand.u32 $0xFFF, v37;
	[tilespmem:$0x570] =	vst v17;
	v31 =	vor.u32 v28, v5  }
0x9d: {  	v46 =	vld [tilespmem:$0x630];
	[tilespmem:$0x580] =	vst v18;
	v49 =	vshrl.u32 v33, $0x1;
	v53 =	vand.u32 $0xFFF, v33;
	v3 =	vand.u32 $0x7FFFF000, v52  }
0x9e: {  	[tilespmem:$0x5A0] =	vst v30;
	v45 =	vshrl.u32 v29, $0x1;
	v48 =	vand.u32 $0xFFF, v29;
	v51 =	vand.u32 $0x7FFFF000, v49  }
0x9f: {  	[tilespmem:$0x5B0] =	vst v31;
	v56 =	vor.u32 v54, v3;
	v57 =	vshrl.u32 v43, $0x1;
	v59 =	vand.u32 $0xFFF, v43  }
0xa0: {  	v40 =	vshrl.u32 v24, $0x1;
	v47 =	vand.u32 $0x7FFFF000, v45;
	v55 =	vor.u32 v53, v51;
	[tilespmem:$0x610] =	vst v56  }
0xa1: {  	v42 =	vand.u32 $0xFFF, v24;
	v58 =	vand.u32 $0x7FFFF000, v57;
	v50 =	vor.u32 v48, v47;
	[tilespmem:$0x600] =	vst v55  }
0xa2: {  	v60 =	vshrl.u32 v46, $0x1;
	v4 =	vand.u32 $0x7FFFF000, v40;
	v0 =	vor.u32 v59, v58;
	[tilespmem:$0x5F0] =	vst v50  }
0xa3: {  	v62 =	vand.u32 $0xFFF, v46;
	v61 =	vand.u32 $0x7FFFF000, v60;
	v44 =	vor.u32 v42, v4;
	[tilespmem:$0x620] =	vst v0  }
0xa4: {  	v63 =	vor.u32 v62, v61;
	[tilespmem:$0x5E0] =	vst v44  }
0xa5: {  	[tilespmem:$0x630] =	vst v63  }
0xa6: {  	[tilespmem:s10], [sflag:$0x1] =	stream.indirect.gather [hbm4b:s3+s9], $0x80, s2, s9, $0xb8;
	[tilespmem:$0x19680] =	vst v63  }
0xa7: {  	_ =	swait.ge [sflag:s11], $0x19000  }
0xa8: {  	[sflag:s11] =	ssyncset.done $0x0  }
0xa9: {  	[sflag:s11] =	ssyncadd.s32 $0xFFFE7000  }
0xaa: {  	[hbm4b:s5+s2] =	stream.linear.scatter [tilespmem:s10], [sflag:$0x2], $0x19000, $0x38;
	[tilespmem:$0x19680] =	vst v63  }
0xab: {  	_ =	swait.ge [sflag:s8], $0x19000  }
0xac: {  	[sflag:s8] =	ssyncset.done $0x0  }
0xad: {  	[sflag:s8] =	ssyncadd.s32 $0xFFFE7000  }
0xae: {  	[tilespmem:s10], [sflag:$0x1] =	stream.indirect.gather [hbm4b:s3+s9], $0x80, s9, s9, $0xb8;
	[tilespmem:$0x19680] =	vst v63  }
0xaf: {  	_ =	swait.ge [sflag:s11], $0x19000  }
0xb0: {  	p0 =	sne.s32 s7, $0x1;
	[sflag:s11] =	ssyncset.done $0x0  }
.Ltmp0:
0xb1: {  	[sflag:s11] =	ssyncadd.s32 $0xFFFE7000;
	(pc) =	sbr.rel @p0 .LBB2_1-.Ltmp0, $4  }
0xb2: {  	[hbm4b:s6+s2] =	stream.linear.scatter [tilespmem:s10], [sflag:$0x2], $0x19000, $0x38;
	[tilespmem:$0x19680] =	vst v63  }
0xb3: {  	_ =	swait.ge [sflag:s8], $0x19000  }
0xb4: {  	[sflag:s8] =	ssyncset.done $0x0  }
0xb5: {  	s7 =	sadd.s32 $0xFFFFFFFF, s7;
	[sflag:s8] =	ssyncadd.s32 $0xFFFE7000  }
0xb6: {  	_ =	sfence.sel $0x180000  }
0xb7: {  	[bflag:$0x0] =	sbarrier.arrive $0xFFFF  }
0xb8: {  	p0 =	sne.s32 s0, $0x0;
	_ =	strace $0x90000047  }
0xb9: {  	s0 =	sadd.s32 @!p0 $0x100000, s1;
	[bflag:$0x2] =	sbarrier.arrive $0xFFFF  }
0xba: {  	[sflag:s0] =	ssyncadd.tile.s32 @!p0 $0x1;
	_ =	shalt  }
.Lfunc_end2:
_tile_overlayer_lowered:
.L_overlay_start_2:
0xbb: {  	(tag) =	ssettag $0x2  }
0xbc: {  	s0 =	rddreg [dreg:$0x0];
	s2 =	stileid.u32  }
0xbd: {  	s1 =	rddreg [dreg:$0x1];
	p0 =	sne.s32 s2, $0x0  }
0xbe: {  	s3 =	rddreg [dreg:$0x2];
	[bflag:$0x3] =	sbarrier.arrive $0xFFFF;
	s2 =	simm.s32 @!p0 $0x1C02  }
0xbf: {  	[timem:s3], [sflag:s2] =	dma.local @!p0 [hbm:s0], s1  }
0xc0: {  	s0 =	simm.s32 @!p0 $0x2  }
0xc1: {  	_ =	swait.ge @!p0 [sflag:s0], s1  }
0xc2: {  	s1 =	ssub.s32 @!p0 $0x0, s1;
	[sflag:s0] =	ssyncset.done @!p0 $0x0  }
0xc3: {  	[sflag:s0] =	ssyncadd.s32 @!p0 s1  }
0xc4: {  	[bflag:$0x3] =	sbarrier.arrive $0xFFFF  }
0xc5: {  	_ =	shalt  }

</sc_bundles>
